<compile_context>
chip_gen: v7x
topology: tpu7x:2x2x1
jax: 0.10.2.dev20260603
libtpu: 0.0.44.dev20260713+nightly
codegen_flags: <defaults>
</compile_context>

<pallas_src>
import functools

import jax
import jax.numpy as jnp
from jax import lax
from jax.experimental import pallas as pl
from jax.experimental.pallas import tpu as pltpu
from jax.experimental.pallas import tpu_sc as plsc


def _matmul(x, w):
    n, d = x.shape
    h = w.shape[1]
    bn = 2000
    def body(x_ref, w_ref, o_ref):
        o_ref[...] = jnp.dot(x_ref[...], w_ref[...],
                             preferred_element_type=jnp.float32)
    return pl.pallas_call(
        body,
        grid=(n // bn,),
        in_specs=[pl.BlockSpec((bn, d), lambda i: (i, 0)),
                  pl.BlockSpec((d, h), lambda i: (0, 0))],
        out_specs=pl.BlockSpec((bn, h), lambda i: (i, 0)),
        out_shape=jax.ShapeDtypeStruct((n, h), jnp.float32),
    )(x, w)


def _mid_pairs(pp, s1p, b1pair, w2d):
    n2, h2 = pp.shape
    bn = 1000
    def body(p_ref, s_ref, b_ref, w_ref, q_ref):
        hh = p_ref[...] + s_ref[0] + s_ref[1] + b_ref[...]
        hh = jnp.maximum(hh, 0.0)
        q_ref[...] = jnp.dot(hh, w_ref[...],
                             preferred_element_type=jnp.float32)
    return pl.pallas_call(
        body,
        grid=(n2 // bn,),
        in_specs=[pl.BlockSpec((bn, h2), lambda i: (i, 0)),
                  pl.BlockSpec((2, bn, h2), lambda i: (0, i, 0)),
                  pl.BlockSpec((1, h2), lambda i: (0, 0)),
                  pl.BlockSpec((h2, h2), lambda i: (0, 0))],
        out_specs=pl.BlockSpec((bn, h2), lambda i: (i, 0)),
        out_shape=jax.ShapeDtypeStruct((n2, h2), jnp.float32),
    )(pp, s1p, b1pair, w2d)


def _final_pairs(qp, s2p, b2pair):
    n2, h2 = qp.shape
    bn = 1000
    def body(q_ref, s_ref, b_ref, o_ref):
        o_ref[...] = q_ref[...] + s_ref[0] + s_ref[1] + b_ref[...]
    return pl.pallas_call(
        body,
        grid=(n2 // bn,),
        in_specs=[pl.BlockSpec((bn, h2), lambda i: (i, 0)),
                  pl.BlockSpec((2, bn, h2), lambda i: (0, i, 0)),
                  pl.BlockSpec((1, h2), lambda i: (0, 0))],
        out_specs=pl.BlockSpec((bn, h2), lambda i: (i, 0)),
        out_shape=jax.ShapeDtypeStruct((n2, h2), jnp.float32),
    )(qp, s2p, b2pair)


def _sc_segment_sum(table, ei):
    n, h = table.shape
    e = ei.shape[1]
    info = plsc.get_sparse_core_info()
    nc, ns = info.num_cores, info.num_subcores
    nw = nc * ns
    ch = 80
    nchunk = e // ch
    kmax = -(-nchunk // nw)
    blk = 200
    nblk = n // blk
    kblk = -(-nblk // ns)
    nb = 9

    mesh = plsc.VectorSubcoreMesh(core_axis_name="c", subcore_axis_name="s")

    @functools.partial(
        pl.kernel,
        out_type=jax.ShapeDtypeStruct((nc, n, h), jnp.float32),
        mesh=mesh,
        compiler_params=pltpu.CompilerParams(use_tc_tiling_on_sc=False),
        scratch_types=[
            pltpu.VMEM((nb, 2, ch), jnp.int32),
            pltpu.VMEM((nb, ch, h), jnp.float32),
            pltpu.VMEM((40, 64), jnp.float32),
            pltpu.VMEM_SHARED((n, h), jnp.float32),
            pltpu.SemaphoreType.DMA((nb,)),
            pltpu.SemaphoreType.DMA((nb,)),
            pltpu.SemaphoreType.DMA((nb,)),
        ],
    )
    def k(table_hbm, ei_hbm, out_hbm,
          ii, rows, zbuf, acc, sem_i, sem_g, sem_s):
        c = lax.axis_index("c")
        s = lax.axis_index("s")
        w = c * ns + s

        def zfill(r, carry):
            for t4 in range(4):
                zbuf[r, pl.ds(16 * t4, 16)] = jnp.zeros((16,), jnp.float32)
            return carry

        lax.fori_loop(0, 40, zfill, 0)
        nzb = n // 40
        kzb = -(-nzb // ns)

        def zbody(jj, carry):
            b = s + jj * ns
            @pl.when(b < nzb)
            def _():
                pltpu.sync_copy(zbuf, acc.at[pl.ds(b * 40, 40)])
            return carry

        lax.fori_loop(0, kzb, zbody, 0)
        plsc.subcore_barrier()

        def fire_idx(kk):
            m = lax.rem(kk, nb)
            e0 = (w + kk * nw) * ch
            pltpu.async_copy(ei_hbm.at[:, pl.ds(e0, ch)], ii.at[m],
                             sem_i.at[m])

        def fire_gather(kk):
            m = lax.rem(kk, nb)
            pltpu.make_async_copy(ei_hbm.at[:, pl.ds(0, ch)], ii.at[m],
                                  sem_i.at[m]).wait()
            pltpu.async_copy(table_hbm.at[ii.at[m, 0]], rows.at[m],
                             sem_g.at[m])

        def valid(kk):
            return (kk >= 0) & (w + kk * nw < nchunk)

        for kk0 in range(6):
            @pl.when(valid(kk0))
            def _():
                fire_idx(kk0)
        for kk0 in range(4):
            @pl.when(valid(kk0))
            def _():
                fire_gather(kk0)

        def body(kk, carry):
            m = lax.rem(kk, nb)
            m6 = lax.rem(kk + 6, nb)
            @pl.when(valid(kk - 3))
            def _():
                pltpu.make_async_copy(rows.at[m6], acc.at[ii.at[m6, 1]],
                                      sem_s.at[m6]).wait()
            @pl.when(valid(kk + 6))
            def _():
                fire_idx(kk + 6)
            @pl.when(valid(kk + 4))
            def _():
                fire_gather(kk + 4)
            @pl.when(valid(kk))
            def _():
                pltpu.make_async_copy(table_hbm.at[ii.at[m, 0]], rows.at[m],
                                      sem_g.at[m]).wait()
                pltpu.async_copy(rows.at[m], acc.at[ii.at[m, 1]], sem_s.at[m],
                                 add=True)
            return carry

        lax.fori_loop(0, kmax + 3, body, 0)
        plsc.subcore_barrier()

        def obody(jj, carry):
            b = s + jj * ns
            @pl.when(b < nblk)
            def _():
                r0 = b * blk
                pltpu.sync_copy(acc.at[pl.ds(r0, blk)],
                                out_hbm.at[c, pl.ds(r0, blk)])
            return carry

        lax.fori_loop(0, kblk, obody, 0)

    return k(table, ei)


def kernel(x, edge_index, W1, b1, W2, b2):
    n = x.shape[0]
    h = W1.shape[1]
    c_out = W2.shape[1]
    n2 = n // 2
    h2 = 2 * h

    w2d = jnp.zeros((h2, h2), W2.dtype)
    w2d = w2d.at[:h, :c_out].set(W2).at[h:, c_out:].set(W2)
    b1pair = jnp.concatenate([b1, b1]).reshape(1, h2)
    b2pair = jnp.concatenate([b2, b2]).reshape(1, h2)
    p = _matmul(x, W1)
    pp = p.reshape(n2, h2)
    s1 = _sc_segment_sum(p, edge_index)
    qp = _mid_pairs(pp, s1.reshape(2, n2, h2), b1pair, w2d)
    s2 = _sc_segment_sum(qp.reshape(n, h), edge_index)
    outp = _final_pairs(qp, s2.reshape(2, n2, h2), b2pair)
    return outp.reshape(n, c_out)

# --- scband reference (transcript-rebuilt; emitter-appended) ---
"""Pipeline reference for scband-ginmodel-20461224198762 (READ-ONLY COPY).

The authoritative reference and input builder live on the scoring server;
editing this copy changes nothing except your own understanding.
"""

import jax, jax.numpy as jnp
import numpy as np

N_NODES = 10000
N_EDGES = 160000
D_FEAT = 256
HIDDEN = 64
N_CLASSES = 64


def setup_inputs(seed: int = 0) -> dict:
    key = jax.random.key(seed)
    k1, k2, k3, k4 = jax.random.split(key, 4)
    x = jax.random.normal(k1, (N_NODES, D_FEAT), dtype=jnp.float32)
    edge_index = jax.random.randint(k2, (2, N_EDGES), 0, N_NODES, dtype=jnp.int32)
    # Linear(num_features, 64) and Linear(64, num_classes) weights (stored as [in, out])
    W1 = jax.random.normal(k3, (D_FEAT, HIDDEN), dtype=jnp.float32) * (1.0 / np.sqrt(D_FEAT))
    b1 = jnp.zeros((HIDDEN,), dtype=jnp.float32)
    W2 = jax.random.normal(k4, (HIDDEN, N_CLASSES), dtype=jnp.float32) * (1.0 / np.sqrt(HIDDEN))
    b2 = jnp.zeros((N_CLASSES,), dtype=jnp.float32)
    return {"x": x, "edge_index": edge_index, "W1": W1, "b1": b1, "W2": W2, "b2": b2}


def reference(x, edge_index, W1, b1, W2, b2):
    # GINConv (eps=0, not trainable): out_i = nn((1+eps)*x_i + sum_{j->i} x_j)
    src = edge_index[0]
    dst = edge_index[1]
    n = x.shape[0]
    # layer 1
    agg1 = jax.ops.segment_sum(x[src], dst, num_segments=n)
    h = (x + agg1) @ W1 + b1
    h = jax.nn.relu(h)
    # dropout is identity in eval mode
    # layer 2
    agg2 = jax.ops.segment_sum(h[src], dst, num_segments=n)
    out = (h + agg2) @ W2 + b2
    return out

if __name__ == "__main__":
    import jax
    _d = setup_inputs()
    print(jax.jit(kernel)(*tuple(_d.values())))

</pallas_src>

<mosaic_0001>
#map = affine_map<(d0, d1) -> (0, 0)>
#map1 = affine_map<(d0, d1) -> (0, 0, 0)>
module attributes {stable_mosaic.version = 14 : i64} {
  func.func @k(%arg0: i32, %arg1: i32, %arg2: memref<10000x64xf32, #tpu.memory_space<hbm>>, %arg3: memref<2x160000xi32, #tpu.memory_space<hbm>>, %arg4: memref<2x10000x64xf32, #tpu.memory_space<hbm>>, %arg5: memref<9x2x80xi32, #tpu.memory_space<vmem>>, %arg6: memref<9x80x64xf32, #tpu.memory_space<vmem>>, %arg7: memref<40x64xf32, #tpu.memory_space<vmem>>, %arg8: memref<10000x64xf32, #tpu.memory_space<vmem_shared>>, %arg9: memref<9x!tpu.dma_semaphore, #tpu.memory_space<semaphore_mem>>, %arg10: memref<9x!tpu.dma_semaphore, #tpu.memory_space<semaphore_mem>>, %arg11: memref<9x!tpu.dma_semaphore, #tpu.memory_space<semaphore_mem>>) attributes {dimension_semantics = [#tpu.dimension_semantics<core_parallel>, #tpu.dimension_semantics<subcore_parallel>], iteration_bounds = array<i64: 2, 16>, scalar_prefetch = 0 : i64, scratch_operands = 7 : i64, tpu.core_type = #tpu.core_type<sc_vector_subcore>, window_params = [{transform_indices = #map}, {transform_indices = #map}, {transform_indices = #map1}]} {
    %mul3A = arith.constant 16 : i32
    %mul3A_0 = arith.muli %arg0, %mul3A : i32
    %add3A = arith.addi %mul3A_0, %arg1 : i32
    %scan3A = arith.constant 0 : i32
    %scan3A_1 = arith.constant 0 : i32
    %scan3A_2 = arith.constant 40 : i32
    %scan3A_3 = arith.addi %scan3A_1, %scan3A_2 : i32
    %scan3A_4 = arith.constant 1 : i32
    scf.for %scan3A_111 = %scan3A_1 to %scan3A_3 step %scan3A_4  : i32 {
      %broadcast_in_dim3A = arith.constant 0.000000e+00 : f32
      %broadcast_in_dim3A_112 = vector.broadcast %broadcast_in_dim3A : f32 to vector<16xf32>
      %swap3A = arith.index_cast %scan3A_111 : i32 to index
      %swap3A_113 = arith.constant 0 : index
      %swap3A_114 = tpu.vector_load %arg7[%swap3A, %swap3A_113] {strides = array<i32>} : memref<40x64xf32, #tpu.memory_space<vmem>>, vector<1x16xf32>,
      %swap3A_115 = vector.shape_cast %swap3A_114 : vector<1x16xf32> to vector<16xf32>
      %swap3A_116 = vector.shape_cast %broadcast_in_dim3A_112 : vector<16xf32> to vector<1x16xf32>
      tpu.vector_store %arg7[%swap3A, %swap3A_113], %swap3A_116 {strides = array<i32>} : memref<40x64xf32, #tpu.memory_space<vmem>>, vector<1x16xf32>,
      %broadcast_in_dim3A_117 = arith.constant 0.000000e+00 : f32
      %broadcast_in_dim3A_118 = vector.broadcast %broadcast_in_dim3A_117 : f32 to vector<16xf32>
      %swap3A_119 = arith.index_cast %scan3A_111 : i32 to index
      %swap3A_120 = arith.constant 16 : index
      %swap3A_121 = tpu.vector_load %arg7[%swap3A_119, %swap3A_120] {strides = array<i32>} : memref<40x64xf32, #tpu.memory_space<vmem>>, vector<1x16xf32>,
      %swap3A_122 = vector.shape_cast %swap3A_121 : vector<1x16xf32> to vector<16xf32>
      %swap3A_123 = vector.shape_cast %broadcast_in_dim3A_118 : vector<16xf32> to vector<1x16xf32>
      tpu.vector_store %arg7[%swap3A_119, %swap3A_120], %swap3A_123 {strides = array<i32>} : memref<40x64xf32, #tpu.memory_space<vmem>>, vector<1x16xf32>,
      %broadcast_in_dim3A_124 = arith.constant 0.000000e+00 : f32
      %broadcast_in_dim3A_125 = vector.broadcast %broadcast_in_dim3A_124 : f32 to vector<16xf32>
      %swap3A_126 = arith.index_cast %scan3A_111 : i32 to index
      %swap3A_127 = arith.constant 32 : index
      %swap3A_128 = tpu.vector_load %arg7[%swap3A_126, %swap3A_127] {strides = array<i32>} : memref<40x64xf32, #tpu.memory_space<vmem>>, vector<1x16xf32>,
      %swap3A_129 = vector.shape_cast %swap3A_128 : vector<1x16xf32> to vector<16xf32>
      %swap3A_130 = vector.shape_cast %broadcast_in_dim3A_125 : vector<16xf32> to vector<1x16xf32>
      tpu.vector_store %arg7[%swap3A_126, %swap3A_127], %swap3A_130 {strides = array<i32>} : memref<40x64xf32, #tpu.memory_space<vmem>>, vector<1x16xf32>,
      %broadcast_in_dim3A_131 = arith.constant 0.000000e+00 : f32
      %broadcast_in_dim3A_132 = vector.broadcast %broadcast_in_dim3A_131 : f32 to vector<16xf32>
      %swap3A_133 = arith.index_cast %scan3A_111 : i32 to index
      %swap3A_134 = arith.constant 48 : index
      %swap3A_135 = tpu.vector_load %arg7[%swap3A_133, %swap3A_134] {strides = array<i32>} : memref<40x64xf32, #tpu.memory_space<vmem>>, vector<1x16xf32>,
      %swap3A_136 = vector.shape_cast %swap3A_135 : vector<1x16xf32> to vector<16xf32>
      %swap3A_137 = vector.shape_cast %broadcast_in_dim3A_132 : vector<16xf32> to vector<1x16xf32>
      tpu.vector_store %arg7[%swap3A_133, %swap3A_134], %swap3A_137 {strides = array<i32>} : memref<40x64xf32, #tpu.memory_space<vmem>>, vector<1x16xf32>,
    }
    %scan3A_5 = arith.constant 40 : i32
    %scan3A_6 = arith.constant 0 : i32
    %scan3A_7 = arith.constant 0 : i32
    %scan3A_8 = arith.constant 16 : i32
    %scan3A_9 = arith.addi %scan3A_7, %scan3A_8 : i32
    %scan3A_10 = arith.constant 1 : i32
    scf.for %scan3A_111 = %scan3A_7 to %scan3A_9 step %scan3A_10  : i32 {
      %mul3A_112 = arith.constant 16 : i32
      %mul3A_113 = arith.muli %scan3A_111, %mul3A_112 : i32
      %add3A_114 = arith.addi %arg1, %mul3A_113 : i32
      %lt3A_115 = arith.constant 250 : i32
      %lt3A_116 = arith.cmpi slt, %add3A_114, %lt3A_115 : i32
      %convert_element_type3A_117 = arith.extui %lt3A_116 : i1 to i32
      %cond3A_118 = arith.constant 0 : i32
      %cond3A_119 = arith.cmpi ne, %convert_element_type3A_117, %cond3A_118 : i32
      scf.if %cond3A_119 {
        %mul3A_120 = arith.constant 40 : i32
        %mul3A_121 = arith.muli %add3A_114, %mul3A_120 : i32
        "tpu.region"() ({
          %run_scoped3A = tpu.sem_alloc : memref<!tpu.dma_semaphore, #tpu.memory_space<semaphore_mem>>
          %dma_start3A = arith.constant 0 : i32
          %dma_start3A_122 = tpu.memref_slice %arg8[%mul3A_121, %dma_start3A] : memref<10000x64xf32, #tpu.memory_space<vmem_shared>> -> memref<40x64xf32, #tpu.memory_space<vmem_shared>>
          %dma_start3A_123 = arith.constant 0 : i32
          %dma_start3A_124 = tpu.memref_slice %arg8[%mul3A_121, %dma_start3A_123] : memref<10000x64xf32, #tpu.memory_space<vmem_shared>> -> memref<40x64xf32, #tpu.memory_space<vmem_shared>>
          tpu.enqueue_dma source(%arg7 : memref<40x64xf32, #tpu.memory_space<vmem>>) target(%dma_start3A_124 : memref<40x64xf32, #tpu.memory_space<vmem_shared>>) target_semaphore(%run_scoped3A : memref<!tpu.dma_semaphore, #tpu.memory_space<semaphore_mem>>)
          %dma_wait3A = arith.constant 0 : i32
          %dma_wait3A_125 = tpu.memref_slice %arg8[%mul3A_121, %dma_wait3A] : memref<10000x64xf32, #tpu.memory_space<vmem_shared>> -> memref<40x64xf32, #tpu.memory_space<vmem_shared>>
          %dma_wait3A_126 = arith.constant 0 : i32
          %dma_wait3A_127 = tpu.memref_slice %arg8[%mul3A_121, %dma_wait3A_126] : memref<10000x64xf32, #tpu.memory_space<vmem_shared>> -> memref<40x64xf32, #tpu.memory_space<vmem_shared>>
          tpu.wait_dma2 semaphore(%run_scoped3A : memref<!tpu.dma_semaphore, #tpu.memory_space<semaphore_mem>>) src(%arg7 : memref<40x64xf32, #tpu.memory_space<vmem>>) dst(%dma_wait3A_127 : memref<40x64xf32, #tpu.memory_space<vmem_shared>>)
          tpu.yield
        }) : () -> ()
      } else {
      }
    }
    %scan3A_11 = arith.constant 16 : i32
    %barrier3A = arith.constant 0 : index
    tpu.barrier barrier_id(%barrier3A)
    %add3A_12 = arith.constant 0 : i32
    %add3A_13 = arith.addi %add3A, %add3A_12 : i32
    %lt3A = arith.constant 2000 : i32
    %lt3A_14 = arith.cmpi slt, %add3A_13, %lt3A : i32
    %and3A = arith.constant true
    %and3A_15 = arith.andi %and3A, %lt3A_14 : i1
    %convert_element_type3A = arith.extui %and3A_15 : i1 to i32
    %cond3A = arith.constant 0 : i32
    %cond3A_16 = arith.cmpi ne, %convert_element_type3A, %cond3A : i32
    scf.if %cond3A_16 {
      %rem3A = arith.constant 0 : i32
      %rem3A_111 = arith.constant 9 : i32
      %rem3A_112 = arith.remsi %rem3A, %rem3A_111 : i32
      %add3A_113 = arith.constant 0 : i32
      %add3A_114 = arith.addi %add3A, %add3A_113 : i32
      %mul3A_115 = arith.constant 80 : i32
      %mul3A_116 = arith.muli %add3A_114, %mul3A_115 : i32
      %dma_start3A = arith.constant 0 : i32
      %dma_start3A_117 = arith.constant 0 : i32
      %dma_start3A_118 = tpu.memref_slice %arg5[%rem3A_112, %dma_start3A, %dma_start3A_117] : memref<9x2x80xi32, #tpu.memory_space<vmem>> -> memref<1x2x80xi32, #tpu.memory_space<vmem>>
      %dma_start3A_119 = tpu.memref_squeeze %dma_start3A_118 : memref<1x2x80xi32, #tpu.memory_space<vmem>> -> memref<2x80xi32, #tpu.memory_space<vmem>>
      %dma_start3A_120 = arith.constant 0 : i32
      %dma_start3A_121 = tpu.memref_slice %arg3[%dma_start3A_120, %mul3A_116] : memref<2x160000xi32, #tpu.memory_space<hbm>> -> memref<2x80xi32, #tpu.memory_space<hbm>>
      %dma_start3A_122 = tpu.memref_slice %arg9[%rem3A_112] : memref<9x!tpu.dma_semaphore, #tpu.memory_space<semaphore_mem>> -> memref<1x!tpu.dma_semaphore, #tpu.memory_space<semaphore_mem>>
      %dma_start3A_123 = tpu.memref_squeeze %dma_start3A_122 : memref<1x!tpu.dma_semaphore, #tpu.memory_space<semaphore_mem>> -> memref<!tpu.dma_semaphore, #tpu.memory_space<semaphore_mem>>
      %dma_start3A_124 = arith.constant 0 : i32
      %dma_start3A_125 = arith.constant 0 : i32
      %dma_start3A_126 = tpu.memref_slice %arg5[%rem3A_112, %dma_start3A_124, %dma_start3A_125] : memref<9x2x80xi32, #tpu.memory_space<vmem>> -> memref<1x2x80xi32, #tpu.memory_space<vmem>>
      %dma_start3A_127 = tpu.memref_squeeze %dma_start3A_126 : memref<1x2x80xi32, #tpu.memory_space<vmem>> -> memref<2x80xi32, #tpu.memory_space<vmem>>
      %dma_start3A_128 = arith.constant 0 : i32
      %dma_start3A_129 = tpu.memref_slice %arg3[%dma_start3A_128, %mul3A_116] : memref<2x160000xi32, #tpu.memory_space<hbm>> -> memref<2x80xi32, #tpu.memory_space<hbm>>
      tpu.enqueue_dma source(%dma_start3A_129 : memref<2x80xi32, #tpu.memory_space<hbm>>) target(%dma_start3A_127 : memref<2x80xi32, #tpu.memory_space<vmem>>) target_semaphore(%dma_start3A_123 : memref<!tpu.dma_semaphore, #tpu.memory_space<semaphore_mem>>)
    } else {
    }
    %add3A_17 = arith.constant 32 : i32
    %add3A_18 = arith.addi %add3A, %add3A_17 : i32
    %lt3A_19 = arith.constant 2000 : i32
    %lt3A_20 = arith.cmpi slt, %add3A_18, %lt3A_19 : i32
    %and3A_21 = arith.constant true
    %and3A_22 = arith.andi %and3A_21, %lt3A_20 : i1
    %convert_element_type3A_23 = arith.extui %and3A_22 : i1 to i32
    %cond3A_24 = arith.constant 0 : i32
    %cond3A_25 = arith.cmpi ne, %convert_element_type3A_23, %cond3A_24 : i32
    scf.if %cond3A_25 {
      %rem3A = arith.constant 1 : i32
      %rem3A_111 = arith.constant 9 : i32
      %rem3A_112 = arith.remsi %rem3A, %rem3A_111 : i32
      %add3A_113 = arith.constant 32 : i32
      %add3A_114 = arith.addi %add3A, %add3A_113 : i32
      %mul3A_115 = arith.constant 80 : i32
      %mul3A_116 = arith.muli %add3A_114, %mul3A_115 : i32
      %dma_start3A = arith.constant 0 : i32
      %dma_start3A_117 = arith.constant 0 : i32
      %dma_start3A_118 = tpu.memref_slice %arg5[%rem3A_112, %dma_start3A, %dma_start3A_117] : memref<9x2x80xi32, #tpu.memory_space<vmem>> -> memref<1x2x80xi32, #tpu.memory_space<vmem>>
      %dma_start3A_119 = tpu.memref_squeeze %dma_start3A_118 : memref<1x2x80xi32, #tpu.memory_space<vmem>> -> memref<2x80xi32, #tpu.memory_space<vmem>>
      %dma_start3A_120 = arith.constant 0 : i32
      %dma_start3A_121 = tpu.memref_slice %arg3[%dma_start3A_120, %mul3A_116] : memref<2x160000xi32, #tpu.memory_space<hbm>> -> memref<2x80xi32, #tpu.memory_space<hbm>>
      %dma_start3A_122 = tpu.memref_slice %arg9[%rem3A_112] : memref<9x!tpu.dma_semaphore, #tpu.memory_space<semaphore_mem>> -> memref<1x!tpu.dma_semaphore, #tpu.memory_space<semaphore_mem>>
      %dma_start3A_123 = tpu.memref_squeeze %dma_start3A_122 : memref<1x!tpu.dma_semaphore, #tpu.memory_space<semaphore_mem>> -> memref<!tpu.dma_semaphore, #tpu.memory_space<semaphore_mem>>
      %dma_start3A_124 = arith.constant 0 : i32
      %dma_start3A_125 = arith.constant 0 : i32
      %dma_start3A_126 = tpu.memref_slice %arg5[%rem3A_112, %dma_start3A_124, %dma_start3A_125] : memref<9x2x80xi32, #tpu.memory_space<vmem>> -> memref<1x2x80xi32, #tpu.memory_space<vmem>>
      %dma_start3A_127 = tpu.memref_squeeze %dma_start3A_126 : memref<1x2x80xi32, #tpu.memory_space<vmem>> -> memref<2x80xi32, #tpu.memory_space<vmem>>
      %dma_start3A_128 = arith.constant 0 : i32
      %dma_start3A_129 = tpu.memref_slice %arg3[%dma_start3A_128, %mul3A_116] : memref<2x160000xi32, #tpu.memory_space<hbm>> -> memref<2x80xi32, #tpu.memory_space<hbm>>
      tpu.enqueue_dma source(%dma_start3A_129 : memref<2x80xi32, #tpu.memory_space<hbm>>) target(%dma_start3A_127 : memref<2x80xi32, #tpu.memory_space<vmem>>) target_semaphore(%dma_start3A_123 : memref<!tpu.dma_semaphore, #tpu.memory_space<semaphore_mem>>)
    } else {
    }
    %add3A_26 = arith.constant 64 : i32
    %add3A_27 = arith.addi %add3A, %add3A_26 : i32
    %lt3A_28 = arith.constant 2000 : i32
    %lt3A_29 = arith.cmpi slt, %add3A_27, %lt3A_28 : i32
    %and3A_30 = arith.constant true
    %and3A_31 = arith.andi %and3A_30, %lt3A_29 : i1
    %convert_element_type3A_32 = arith.extui %and3A_31 : i1 to i32
    %cond3A_33 = arith.constant 0 : i32
    %cond3A_34 = arith.cmpi ne, %convert_element_type3A_32, %cond3A_33 : i32
    scf.if %cond3A_34 {
      %rem3A = arith.constant 2 : i32
      %rem3A_111 = arith.constant 9 : i32
      %rem3A_112 = arith.remsi %rem3A, %rem3A_111 : i32
      %add3A_113 = arith.constant 64 : i32
      %add3A_114 = arith.addi %add3A, %add3A_113 : i32
      %mul3A_115 = arith.constant 80 : i32
      %mul3A_116 = arith.muli %add3A_114, %mul3A_115 : i32
      %dma_start3A = arith.constant 0 : i32
      %dma_start3A_117 = arith.constant 0 : i32
      %dma_start3A_118 = tpu.memref_slice %arg5[%rem3A_112, %dma_start3A, %dma_start3A_117] : memref<9x2x80xi32, #tpu.memory_space<vmem>> -> memref<1x2x80xi32, #tpu.memory_space<vmem>>
      %dma_start3A_119 = tpu.memref_squeeze %dma_start3A_118 : memref<1x2x80xi32, #tpu.memory_space<vmem>> -> memref<2x80xi32, #tpu.memory_space<vmem>>
      %dma_start3A_120 = arith.constant 0 : i32
      %dma_start3A_121 = tpu.memref_slice %arg3[%dma_start3A_120, %mul3A_116] : memref<2x160000xi32, #tpu.memory_space<hbm>> -> memref<2x80xi32, #tpu.memory_space<hbm>>
      %dma_start3A_122 = tpu.memref_slice %arg9[%rem3A_112] : memref<9x!tpu.dma_semaphore, #tpu.memory_space<semaphore_mem>> -> memref<1x!tpu.dma_semaphore, #tpu.memory_space<semaphore_mem>>
      %dma_start3A_123 = tpu.memref_squeeze %dma_start3A_122 : memref<1x!tpu.dma_semaphore, #tpu.memory_space<semaphore_mem>> -> memref<!tpu.dma_semaphore, #tpu.memory_space<semaphore_mem>>
      %dma_start3A_124 = arith.constant 0 : i32
      %dma_start3A_125 = arith.constant 0 : i32
      %dma_start3A_126 = tpu.memref_slice %arg5[%rem3A_112, %dma_start3A_124, %dma_start3A_125] : memref<9x2x80xi32, #tpu.memory_space<vmem>> -> memref<1x2x80xi32, #tpu.memory_space<vmem>>
      %dma_start3A_127 = tpu.memref_squeeze %dma_start3A_126 : memref<1x2x80xi32, #tpu.memory_space<vmem>> -> memref<2x80xi32, #tpu.memory_space<vmem>>
      %dma_start3A_128 = arith.constant 0 : i32
      %dma_start3A_129 = tpu.memref_slice %arg3[%dma_start3A_128, %mul3A_116] : memref<2x160000xi32, #tpu.memory_space<hbm>> -> memref<2x80xi32, #tpu.memory_space<hbm>>
      tpu.enqueue_dma source(%dma_start3A_129 : memref<2x80xi32, #tpu.memory_space<hbm>>) target(%dma_start3A_127 : memref<2x80xi32, #tpu.memory_space<vmem>>) target_semaphore(%dma_start3A_123 : memref<!tpu.dma_semaphore, #tpu.memory_space<semaphore_mem>>)
    } else {
    }
    %add3A_35 = arith.constant 96 : i32
    %add3A_36 = arith.addi %add3A, %add3A_35 : i32
    %lt3A_37 = arith.constant 2000 : i32
    %lt3A_38 = arith.cmpi slt, %add3A_36, %lt3A_37 : i32
    %and3A_39 = arith.constant true
    %and3A_40 = arith.andi %and3A_39, %lt3A_38 : i1
    %convert_element_type3A_41 = arith.extui %and3A_40 : i1 to i32
    %cond3A_42 = arith.constant 0 : i32
    %cond3A_43 = arith.cmpi ne, %convert_element_type3A_41, %cond3A_42 : i32
    scf.if %cond3A_43 {
      %rem3A = arith.constant 3 : i32
      %rem3A_111 = arith.constant 9 : i32
      %rem3A_112 = arith.remsi %rem3A, %rem3A_111 : i32
      %add3A_113 = arith.constant 96 : i32
      %add3A_114 = arith.addi %add3A, %add3A_113 : i32
      %mul3A_115 = arith.constant 80 : i32
      %mul3A_116 = arith.muli %add3A_114, %mul3A_115 : i32
      %dma_start3A = arith.constant 0 : i32
      %dma_start3A_117 = arith.constant 0 : i32
      %dma_start3A_118 = tpu.memref_slice %arg5[%rem3A_112, %dma_start3A, %dma_start3A_117] : memref<9x2x80xi32, #tpu.memory_space<vmem>> -> memref<1x2x80xi32, #tpu.memory_space<vmem>>
      %dma_start3A_119 = tpu.memref_squeeze %dma_start3A_118 : memref<1x2x80xi32, #tpu.memory_space<vmem>> -> memref<2x80xi32, #tpu.memory_space<vmem>>
      %dma_start3A_120 = arith.constant 0 : i32
      %dma_start3A_121 = tpu.memref_slice %arg3[%dma_start3A_120, %mul3A_116] : memref<2x160000xi32, #tpu.memory_space<hbm>> -> memref<2x80xi32, #tpu.memory_space<hbm>>
      %dma_start3A_122 = tpu.memref_slice %arg9[%rem3A_112] : memref<9x!tpu.dma_semaphore, #tpu.memory_space<semaphore_mem>> -> memref<1x!tpu.dma_semaphore, #tpu.memory_space<semaphore_mem>>
      %dma_start3A_123 = tpu.memref_squeeze %dma_start3A_122 : memref<1x!tpu.dma_semaphore, #tpu.memory_space<semaphore_mem>> -> memref<!tpu.dma_semaphore, #tpu.memory_space<semaphore_mem>>
      %dma_start3A_124 = arith.constant 0 : i32
      %dma_start3A_125 = arith.constant 0 : i32
      %dma_start3A_126 = tpu.memref_slice %arg5[%rem3A_112, %dma_start3A_124, %dma_start3A_125] : memref<9x2x80xi32, #tpu.memory_space<vmem>> -> memref<1x2x80xi32, #tpu.memory_space<vmem>>
      %dma_start3A_127 = tpu.memref_squeeze %dma_start3A_126 : memref<1x2x80xi32, #tpu.memory_space<vmem>> -> memref<2x80xi32, #tpu.memory_space<vmem>>
      %dma_start3A_128 = arith.constant 0 : i32
      %dma_start3A_129 = tpu.memref_slice %arg3[%dma_start3A_128, %mul3A_116] : memref<2x160000xi32, #tpu.memory_space<hbm>> -> memref<2x80xi32, #tpu.memory_space<hbm>>
      tpu.enqueue_dma source(%dma_start3A_129 : memref<2x80xi32, #tpu.memory_space<hbm>>) target(%dma_start3A_127 : memref<2x80xi32, #tpu.memory_space<vmem>>) target_semaphore(%dma_start3A_123 : memref<!tpu.dma_semaphore, #tpu.memory_space<semaphore_mem>>)
    } else {
    }
    %add3A_44 = arith.constant 128 : i32
    %add3A_45 = arith.addi %add3A, %add3A_44 : i32
    %lt3A_46 = arith.constant 2000 : i32
    %lt3A_47 = arith.cmpi slt, %add3A_45, %lt3A_46 : i32
    %and3A_48 = arith.constant true
    %and3A_49 = arith.andi %and3A_48, %lt3A_47 : i1
    %convert_element_type3A_50 = arith.extui %and3A_49 : i1 to i32
    %cond3A_51 = arith.constant 0 : i32
    %cond3A_52 = arith.cmpi ne, %convert_element_type3A_50, %cond3A_51 : i32
    scf.if %cond3A_52 {
      %rem3A = arith.constant 4 : i32
      %rem3A_111 = arith.constant 9 : i32
      %rem3A_112 = arith.remsi %rem3A, %rem3A_111 : i32
      %add3A_113 = arith.constant 128 : i32
      %add3A_114 = arith.addi %add3A, %add3A_113 : i32
      %mul3A_115 = arith.constant 80 : i32
      %mul3A_116 = arith.muli %add3A_114, %mul3A_115 : i32
      %dma_start3A = arith.constant 0 : i32
      %dma_start3A_117 = arith.constant 0 : i32
      %dma_start3A_118 = tpu.memref_slice %arg5[%rem3A_112, %dma_start3A, %dma_start3A_117] : memref<9x2x80xi32, #tpu.memory_space<vmem>> -> memref<1x2x80xi32, #tpu.memory_space<vmem>>
      %dma_start3A_119 = tpu.memref_squeeze %dma_start3A_118 : memref<1x2x80xi32, #tpu.memory_space<vmem>> -> memref<2x80xi32, #tpu.memory_space<vmem>>
      %dma_start3A_120 = arith.constant 0 : i32
      %dma_start3A_121 = tpu.memref_slice %arg3[%dma_start3A_120, %mul3A_116] : memref<2x160000xi32, #tpu.memory_space<hbm>> -> memref<2x80xi32, #tpu.memory_space<hbm>>
      %dma_start3A_122 = tpu.memref_slice %arg9[%rem3A_112] : memref<9x!tpu.dma_semaphore, #tpu.memory_space<semaphore_mem>> -> memref<1x!tpu.dma_semaphore, #tpu.memory_space<semaphore_mem>>
      %dma_start3A_123 = tpu.memref_squeeze %dma_start3A_122 : memref<1x!tpu.dma_semaphore, #tpu.memory_space<semaphore_mem>> -> memref<!tpu.dma_semaphore, #tpu.memory_space<semaphore_mem>>
      %dma_start3A_124 = arith.constant 0 : i32
      %dma_start3A_125 = arith.constant 0 : i32
      %dma_start3A_126 = tpu.memref_slice %arg5[%rem3A_112, %dma_start3A_124, %dma_start3A_125] : memref<9x2x80xi32, #tpu.memory_space<vmem>> -> memref<1x2x80xi32, #tpu.memory_space<vmem>>
      %dma_start3A_127 = tpu.memref_squeeze %dma_start3A_126 : memref<1x2x80xi32, #tpu.memory_space<vmem>> -> memref<2x80xi32, #tpu.memory_space<vmem>>
      %dma_start3A_128 = arith.constant 0 : i32
      %dma_start3A_129 = tpu.memref_slice %arg3[%dma_start3A_128, %mul3A_116] : memref<2x160000xi32, #tpu.memory_space<hbm>> -> memref<2x80xi32, #tpu.memory_space<hbm>>
      tpu.enqueue_dma source(%dma_start3A_129 : memref<2x80xi32, #tpu.memory_space<hbm>>) target(%dma_start3A_127 : memref<2x80xi32, #tpu.memory_space<vmem>>) target_semaphore(%dma_start3A_123 : memref<!tpu.dma_semaphore, #tpu.memory_space<semaphore_mem>>)
    } else {
    }
    %add3A_53 = arith.constant 160 : i32
    %add3A_54 = arith.addi %add3A, %add3A_53 : i32
    %lt3A_55 = arith.constant 2000 : i32
    %lt3A_56 = arith.cmpi slt, %add3A_54, %lt3A_55 : i32
    %and3A_57 = arith.constant true
    %and3A_58 = arith.andi %and3A_57, %lt3A_56 : i1
    %convert_element_type3A_59 = arith.extui %and3A_58 : i1 to i32
    %cond3A_60 = arith.constant 0 : i32
    %cond3A_61 = arith.cmpi ne, %convert_element_type3A_59, %cond3A_60 : i32
    scf.if %cond3A_61 {
      %rem3A = arith.constant 5 : i32
      %rem3A_111 = arith.constant 9 : i32
      %rem3A_112 = arith.remsi %rem3A, %rem3A_111 : i32
      %add3A_113 = arith.constant 160 : i32
      %add3A_114 = arith.addi %add3A, %add3A_113 : i32
      %mul3A_115 = arith.constant 80 : i32
      %mul3A_116 = arith.muli %add3A_114, %mul3A_115 : i32
      %dma_start3A = arith.constant 0 : i32
      %dma_start3A_117 = arith.constant 0 : i32
      %dma_start3A_118 = tpu.memref_slice %arg5[%rem3A_112, %dma_start3A, %dma_start3A_117] : memref<9x2x80xi32, #tpu.memory_space<vmem>> -> memref<1x2x80xi32, #tpu.memory_space<vmem>>
      %dma_start3A_119 = tpu.memref_squeeze %dma_start3A_118 : memref<1x2x80xi32, #tpu.memory_space<vmem>> -> memref<2x80xi32, #tpu.memory_space<vmem>>
      %dma_start3A_120 = arith.constant 0 : i32
      %dma_start3A_121 = tpu.memref_slice %arg3[%dma_start3A_120, %mul3A_116] : memref<2x160000xi32, #tpu.memory_space<hbm>> -> memref<2x80xi32, #tpu.memory_space<hbm>>
      %dma_start3A_122 = tpu.memref_slice %arg9[%rem3A_112] : memref<9x!tpu.dma_semaphore, #tpu.memory_space<semaphore_mem>> -> memref<1x!tpu.dma_semaphore, #tpu.memory_space<semaphore_mem>>
      %dma_start3A_123 = tpu.memref_squeeze %dma_start3A_122 : memref<1x!tpu.dma_semaphore, #tpu.memory_space<semaphore_mem>> -> memref<!tpu.dma_semaphore, #tpu.memory_space<semaphore_mem>>
      %dma_start3A_124 = arith.constant 0 : i32
      %dma_start3A_125 = arith.constant 0 : i32
      %dma_start3A_126 = tpu.memref_slice %arg5[%rem3A_112, %dma_start3A_124, %dma_start3A_125] : memref<9x2x80xi32, #tpu.memory_space<vmem>> -> memref<1x2x80xi32, #tpu.memory_space<vmem>>
      %dma_start3A_127 = tpu.memref_squeeze %dma_start3A_126 : memref<1x2x80xi32, #tpu.memory_space<vmem>> -> memref<2x80xi32, #tpu.memory_space<vmem>>
      %dma_start3A_128 = arith.constant 0 : i32
      %dma_start3A_129 = tpu.memref_slice %arg3[%dma_start3A_128, %mul3A_116] : memref<2x160000xi32, #tpu.memory_space<hbm>> -> memref<2x80xi32, #tpu.memory_space<hbm>>
      tpu.enqueue_dma source(%dma_start3A_129 : memref<2x80xi32, #tpu.memory_space<hbm>>) target(%dma_start3A_127 : memref<2x80xi32, #tpu.memory_space<vmem>>) target_semaphore(%dma_start3A_123 : memref<!tpu.dma_semaphore, #tpu.memory_space<semaphore_mem>>)
    } else {
    }
    %add3A_62 = arith.constant 0 : i32
    %add3A_63 = arith.addi %add3A, %add3A_62 : i32
    %lt3A_64 = arith.constant 2000 : i32
    %lt3A_65 = arith.cmpi slt, %add3A_63, %lt3A_64 : i32
    %and3A_66 = arith.constant true
    %and3A_67 = arith.andi %and3A_66, %lt3A_65 : i1
    %convert_element_type3A_68 = arith.extui %and3A_67 : i1 to i32
    %cond3A_69 = arith.constant 0 : i32
    %cond3A_70 = arith.cmpi ne, %convert_element_type3A_68, %cond3A_69 : i32
    scf.if %cond3A_70 {
      %rem3A = arith.constant 0 : i32
      %rem3A_111 = arith.constant 9 : i32
      %rem3A_112 = arith.remsi %rem3A, %rem3A_111 : i32
      %dma_wait3A = arith.constant 0 : i32
      %dma_wait3A_113 = arith.constant 0 : i32
      %dma_wait3A_114 = tpu.memref_slice %arg5[%rem3A_112, %dma_wait3A, %dma_wait3A_113] : memref<9x2x80xi32, #tpu.memory_space<vmem>> -> memref<1x2x80xi32, #tpu.memory_space<vmem>>
      %dma_wait3A_115 = tpu.memref_squeeze %dma_wait3A_114 : memref<1x2x80xi32, #tpu.memory_space<vmem>> -> memref<2x80xi32, #tpu.memory_space<vmem>>
      %dma_wait3A_116 = arith.constant 0 : i32
      %dma_wait3A_117 = arith.constant 0 : i32
      %dma_wait3A_118 = tpu.memref_slice %arg3[%dma_wait3A_116, %dma_wait3A_117] : memref<2x160000xi32, #tpu.memory_space<hbm>> -> memref<2x80xi32, #tpu.memory_space<hbm>>
      %dma_wait3A_119 = tpu.memref_slice %arg9[%rem3A_112] : memref<9x!tpu.dma_semaphore, #tpu.memory_space<semaphore_mem>> -> memref<1x!tpu.dma_semaphore, #tpu.memory_space<semaphore_mem>>
      %dma_wait3A_120 = tpu.memref_squeeze %dma_wait3A_119 : memref<1x!tpu.dma_semaphore, #tpu.memory_space<semaphore_mem>> -> memref<!tpu.dma_semaphore, #tpu.memory_space<semaphore_mem>>
      %dma_wait3A_121 = arith.constant 0 : i32
      %dma_wait3A_122 = arith.constant 0 : i32
      %dma_wait3A_123 = tpu.memref_slice %arg5[%rem3A_112, %dma_wait3A_121, %dma_wait3A_122] : memref<9x2x80xi32, #tpu.memory_space<vmem>> -> memref<1x2x80xi32, #tpu.memory_space<vmem>>
      %dma_wait3A_124 = tpu.memref_squeeze %dma_wait3A_123 : memref<1x2x80xi32, #tpu.memory_space<vmem>> -> memref<2x80xi32, #tpu.memory_space<vmem>>
      %dma_wait3A_125 = arith.constant 0 : i32
      %dma_wait3A_126 = arith.constant 0 : i32
      %dma_wait3A_127 = tpu.memref_slice %arg3[%dma_wait3A_125, %dma_wait3A_126] : memref<2x160000xi32, #tpu.memory_space<hbm>> -> memref<2x80xi32, #tpu.memory_space<hbm>>
      tpu.wait_dma2 semaphore(%dma_wait3A_120 : memref<!tpu.dma_semaphore, #tpu.memory_space<semaphore_mem>>) src(%dma_wait3A_127 : memref<2x80xi32, #tpu.memory_space<hbm>>) dst(%dma_wait3A_124 : memref<2x80xi32, #tpu.memory_space<vmem>>)
      %dma_start3A = arith.constant 0 : i32
      %dma_start3A_128 = arith.constant 0 : i32
      %dma_start3A_129 = arith.constant 0 : i32
      %dma_start3A_130 = tpu.memref_slice %arg6[%rem3A_112, %dma_start3A_128, %dma_start3A_129] : memref<9x80x64xf32, #tpu.memory_space<vmem>> -> memref<1x80x64xf32, #tpu.memory_space<vmem>>
      %dma_start3A_131 = tpu.memref_squeeze %dma_start3A_130 : memref<1x80x64xf32, #tpu.memory_space<vmem>> -> memref<80x64xf32, #tpu.memory_space<vmem>>
      %dma_start3A_132 = arith.constant 0 : i32
      %dma_start3A_133 = tpu.memref_slice %arg5[%rem3A_112, %dma_start3A, %dma_start3A_132] : memref<9x2x80xi32, #tpu.memory_space<vmem>> -> memref<1x1x80xi32, #tpu.memory_space<vmem>>
      %dma_start3A_134 = tpu.memref_squeeze %dma_start3A_133 : memref<1x1x80xi32, #tpu.memory_space<vmem>> -> memref<80xi32, #tpu.memory_space<vmem>>
      %dma_start3A_135 = arith.constant 0 : i32
      %dma_start3A_136 = arith.constant 0 : i32
      %dma_start3A_137 = tpu.memref_slice %arg2[%dma_start3A_135, %dma_start3A_136] : memref<10000x64xf32, #tpu.memory_space<hbm>> -> memref<10000x64xf32, #tpu.memory_space<hbm>>
      %dma_start3A_138 = tpu.memref_slice %arg10[%rem3A_112] : memref<9x!tpu.dma_semaphore, #tpu.memory_space<semaphore_mem>> -> memref<1x!tpu.dma_semaphore, #tpu.memory_space<semaphore_mem>>
      %dma_start3A_139 = tpu.memref_squeeze %dma_start3A_138 : memref<1x!tpu.dma_semaphore, #tpu.memory_space<semaphore_mem>> -> memref<!tpu.dma_semaphore, #tpu.memory_space<semaphore_mem>>
      tpu.enqueue_indirect_dma source(%dma_start3A_137 : memref<10000x64xf32, #tpu.memory_space<hbm>>) target(%dma_start3A_131 : memref<80x64xf32, #tpu.memory_space<vmem>>) offsets(%dma_start3A_134 : memref<80xi32, #tpu.memory_space<vmem>>) semaphore(%dma_start3A_139 : memref<!tpu.dma_semaphore, #tpu.memory_space<semaphore_mem>>)
    } else {
    }
    %add3A_71 = arith.constant 32 : i32
    %add3A_72 = arith.addi %add3A, %add3A_71 : i32
    %lt3A_73 = arith.constant 2000 : i32
    %lt3A_74 = arith.cmpi slt, %add3A_72, %lt3A_73 : i32
    %and3A_75 = arith.constant true
    %and3A_76 = arith.andi %and3A_75, %lt3A_74 : i1
    %convert_element_type3A_77 = arith.extui %and3A_76 : i1 to i32
    %cond3A_78 = arith.constant 0 : i32
    %cond3A_79 = arith.cmpi ne, %convert_element_type3A_77, %cond3A_78 : i32
    scf.if %cond3A_79 {
      %rem3A = arith.constant 1 : i32
      %rem3A_111 = arith.constant 9 : i32
      %rem3A_112 = arith.remsi %rem3A, %rem3A_111 : i32
      %dma_wait3A = arith.constant 0 : i32
      %dma_wait3A_113 = arith.constant 0 : i32
      %dma_wait3A_114 = tpu.memref_slice %arg5[%rem3A_112, %dma_wait3A, %dma_wait3A_113] : memref<9x2x80xi32, #tpu.memory_space<vmem>> -> memref<1x2x80xi32, #tpu.memory_space<vmem>>
      %dma_wait3A_115 = tpu.memref_squeeze %dma_wait3A_114 : memref<1x2x80xi32, #tpu.memory_space<vmem>> -> memref<2x80xi32, #tpu.memory_space<vmem>>
      %dma_wait3A_116 = arith.constant 0 : i32
      %dma_wait3A_117 = arith.constant 0 : i32
      %dma_wait3A_118 = tpu.memref_slice %arg3[%dma_wait3A_116, %dma_wait3A_117] : memref<2x160000xi32, #tpu.memory_space<hbm>> -> memref<2x80xi32, #tpu.memory_space<hbm>>
      %dma_wait3A_119 = tpu.memref_slice %arg9[%rem3A_112] : memref<9x!tpu.dma_semaphore, #tpu.memory_space<semaphore_mem>> -> memref<1x!tpu.dma_semaphore, #tpu.memory_space<semaphore_mem>>
      %dma_wait3A_120 = tpu.memref_squeeze %dma_wait3A_119 : memref<1x!tpu.dma_semaphore, #tpu.memory_space<semaphore_mem>> -> memref<!tpu.dma_semaphore, #tpu.memory_space<semaphore_mem>>
      %dma_wait3A_121 = arith.constant 0 : i32
      %dma_wait3A_122 = arith.constant 0 : i32
      %dma_wait3A_123 = tpu.memref_slice %arg5[%rem3A_112, %dma_wait3A_121, %dma_wait3A_122] : memref<9x2x80xi32, #tpu.memory_space<vmem>> -> memref<1x2x80xi32, #tpu.memory_space<vmem>>
      %dma_wait3A_124 = tpu.memref_squeeze %dma_wait3A_123 : memref<1x2x80xi32, #tpu.memory_space<vmem>> -> memref<2x80xi32, #tpu.memory_space<vmem>>
      %dma_wait3A_125 = arith.constant 0 : i32
      %dma_wait3A_126 = arith.constant 0 : i32
      %dma_wait3A_127 = tpu.memref_slice %arg3[%dma_wait3A_125, %dma_wait3A_126] : memref<2x160000xi32, #tpu.memory_space<hbm>> -> memref<2x80xi32, #tpu.memory_space<hbm>>
      tpu.wait_dma2 semaphore(%dma_wait3A_120 : memref<!tpu.dma_semaphore, #tpu.memory_space<semaphore_mem>>) src(%dma_wait3A_127 : memref<2x80xi32, #tpu.memory_space<hbm>>) dst(%dma_wait3A_124 : memref<2x80xi32, #tpu.memory_space<vmem>>)
      %dma_start3A = arith.constant 0 : i32
      %dma_start3A_128 = arith.constant 0 : i32
      %dma_start3A_129 = arith.constant 0 : i32
      %dma_start3A_130 = tpu.memref_slice %arg6[%rem3A_112, %dma_start3A_128, %dma_start3A_129] : memref<9x80x64xf32, #tpu.memory_space<vmem>> -> memref<1x80x64xf32, #tpu.memory_space<vmem>>
      %dma_start3A_131 = tpu.memref_squeeze %dma_start3A_130 : memref<1x80x64xf32, #tpu.memory_space<vmem>> -> memref<80x64xf32, #tpu.memory_space<vmem>>
      %dma_start3A_132 = arith.constant 0 : i32
      %dma_start3A_133 = tpu.memref_slice %arg5[%rem3A_112, %dma_start3A, %dma_start3A_132] : memref<9x2x80xi32, #tpu.memory_space<vmem>> -> memref<1x1x80xi32, #tpu.memory_space<vmem>>
      %dma_start3A_134 = tpu.memref_squeeze %dma_start3A_133 : memref<1x1x80xi32, #tpu.memory_space<vmem>> -> memref<80xi32, #tpu.memory_space<vmem>>
      %dma_start3A_135 = arith.constant 0 : i32
      %dma_start3A_136 = arith.constant 0 : i32
      %dma_start3A_137 = tpu.memref_slice %arg2[%dma_start3A_135, %dma_start3A_136] : memref<10000x64xf32, #tpu.memory_space<hbm>> -> memref<10000x64xf32, #tpu.memory_space<hbm>>
      %dma_start3A_138 = tpu.memref_slice %arg10[%rem3A_112] : memref<9x!tpu.dma_semaphore, #tpu.memory_space<semaphore_mem>> -> memref<1x!tpu.dma_semaphore, #tpu.memory_space<semaphore_mem>>
      %dma_start3A_139 = tpu.memref_squeeze %dma_start3A_138 : memref<1x!tpu.dma_semaphore, #tpu.memory_space<semaphore_mem>> -> memref<!tpu.dma_semaphore, #tpu.memory_space<semaphore_mem>>
      tpu.enqueue_indirect_dma source(%dma_start3A_137 : memref<10000x64xf32, #tpu.memory_space<hbm>>) target(%dma_start3A_131 : memref<80x64xf32, #tpu.memory_space<vmem>>) offsets(%dma_start3A_134 : memref<80xi32, #tpu.memory_space<vmem>>) semaphore(%dma_start3A_139 : memref<!tpu.dma_semaphore, #tpu.memory_space<semaphore_mem>>)
    } else {
    }
    %add3A_80 = arith.constant 64 : i32
    %add3A_81 = arith.addi %add3A, %add3A_80 : i32
    %lt3A_82 = arith.constant 2000 : i32
    %lt3A_83 = arith.cmpi slt, %add3A_81, %lt3A_82 : i32
    %and3A_84 = arith.constant true
    %and3A_85 = arith.andi %and3A_84, %lt3A_83 : i1
    %convert_element_type3A_86 = arith.extui %and3A_85 : i1 to i32
    %cond3A_87 = arith.constant 0 : i32
    %cond3A_88 = arith.cmpi ne, %convert_element_type3A_86, %cond3A_87 : i32
    scf.if %cond3A_88 {
      %rem3A = arith.constant 2 : i32
      %rem3A_111 = arith.constant 9 : i32
      %rem3A_112 = arith.remsi %rem3A, %rem3A_111 : i32
      %dma_wait3A = arith.constant 0 : i32
      %dma_wait3A_113 = arith.constant 0 : i32
      %dma_wait3A_114 = tpu.memref_slice %arg5[%rem3A_112, %dma_wait3A, %dma_wait3A_113] : memref<9x2x80xi32, #tpu.memory_space<vmem>> -> memref<1x2x80xi32, #tpu.memory_space<vmem>>
      %dma_wait3A_115 = tpu.memref_squeeze %dma_wait3A_114 : memref<1x2x80xi32, #tpu.memory_space<vmem>> -> memref<2x80xi32, #tpu.memory_space<vmem>>
      %dma_wait3A_116 = arith.constant 0 : i32
      %dma_wait3A_117 = arith.constant 0 : i32
      %dma_wait3A_118 = tpu.memref_slice %arg3[%dma_wait3A_116, %dma_wait3A_117] : memref<2x160000xi32, #tpu.memory_space<hbm>> -> memref<2x80xi32, #tpu.memory_space<hbm>>
      %dma_wait3A_119 = tpu.memref_slice %arg9[%rem3A_112] : memref<9x!tpu.dma_semaphore, #tpu.memory_space<semaphore_mem>> -> memref<1x!tpu.dma_semaphore, #tpu.memory_space<semaphore_mem>>
      %dma_wait3A_120 = tpu.memref_squeeze %dma_wait3A_119 : memref<1x!tpu.dma_semaphore, #tpu.memory_space<semaphore_mem>> -> memref<!tpu.dma_semaphore, #tpu.memory_space<semaphore_mem>>
      %dma_wait3A_121 = arith.constant 0 : i32
      %dma_wait3A_122 = arith.constant 0 : i32
      %dma_wait3A_123 = tpu.memref_slice %arg5[%rem3A_112, %dma_wait3A_121, %dma_wait3A_122] : memref<9x2x80xi32, #tpu.memory_space<vmem>> -> memref<1x2x80xi32, #tpu.memory_space<vmem>>
      %dma_wait3A_124 = tpu.memref_squeeze %dma_wait3A_123 : memref<1x2x80xi32, #tpu.memory_space<vmem>> -> memref<2x80xi32, #tpu.memory_space<vmem>>
      %dma_wait3A_125 = arith.constant 0 : i32
      %dma_wait3A_126 = arith.constant 0 : i32
      %dma_wait3A_127 = tpu.memref_slice %arg3[%dma_wait3A_125, %dma_wait3A_126] : memref<2x160000xi32, #tpu.memory_space<hbm>> -> memref<2x80xi32, #tpu.memory_space<hbm>>
      tpu.wait_dma2 semaphore(%dma_wait3A_120 : memref<!tpu.dma_semaphore, #tpu.memory_space<semaphore_mem>>) src(%dma_wait3A_127 : memref<2x80xi32, #tpu.memory_space<hbm>>) dst(%dma_wait3A_124 : memref<2x80xi32, #tpu.memory_space<vmem>>)
      %dma_start3A = arith.constant 0 : i32
      %dma_start3A_128 = arith.constant 0 : i32
      %dma_start3A_129 = arith.constant 0 : i32
      %dma_start3A_130 = tpu.memref_slice %arg6[%rem3A_112, %dma_start3A_128, %dma_start3A_129] : memref<9x80x64xf32, #tpu.memory_space<vmem>> -> memref<1x80x64xf32, #tpu.memory_space<vmem>>
      %dma_start3A_131 = tpu.memref_squeeze %dma_start3A_130 : memref<1x80x64xf32, #tpu.memory_space<vmem>> -> memref<80x64xf32, #tpu.memory_space<vmem>>
      %dma_start3A_132 = arith.constant 0 : i32
      %dma_start3A_133 = tpu.memref_slice %arg5[%rem3A_112, %dma_start3A, %dma_start3A_132] : memref<9x2x80xi32, #tpu.memory_space<vmem>> -> memref<1x1x80xi32, #tpu.memory_space<vmem>>
      %dma_start3A_134 = tpu.memref_squeeze %dma_start3A_133 : memref<1x1x80xi32, #tpu.memory_space<vmem>> -> memref<80xi32, #tpu.memory_space<vmem>>
      %dma_start3A_135 = arith.constant 0 : i32
      %dma_start3A_136 = arith.constant 0 : i32
      %dma_start3A_137 = tpu.memref_slice %arg2[%dma_start3A_135, %dma_start3A_136] : memref<10000x64xf32, #tpu.memory_space<hbm>> -> memref<10000x64xf32, #tpu.memory_space<hbm>>
      %dma_start3A_138 = tpu.memref_slice %arg10[%rem3A_112] : memref<9x!tpu.dma_semaphore, #tpu.memory_space<semaphore_mem>> -> memref<1x!tpu.dma_semaphore, #tpu.memory_space<semaphore_mem>>
      %dma_start3A_139 = tpu.memref_squeeze %dma_start3A_138 : memref<1x!tpu.dma_semaphore, #tpu.memory_space<semaphore_mem>> -> memref<!tpu.dma_semaphore, #tpu.memory_space<semaphore_mem>>
      tpu.enqueue_indirect_dma source(%dma_start3A_137 : memref<10000x64xf32, #tpu.memory_space<hbm>>) target(%dma_start3A_131 : memref<80x64xf32, #tpu.memory_space<vmem>>) offsets(%dma_start3A_134 : memref<80xi32, #tpu.memory_space<vmem>>) semaphore(%dma_start3A_139 : memref<!tpu.dma_semaphore, #tpu.memory_space<semaphore_mem>>)
    } else {
    }
    %add3A_89 = arith.constant 96 : i32
    %add3A_90 = arith.addi %add3A, %add3A_89 : i32
    %lt3A_91 = arith.constant 2000 : i32
    %lt3A_92 = arith.cmpi slt, %add3A_90, %lt3A_91 : i32
    %and3A_93 = arith.constant true
    %and3A_94 = arith.andi %and3A_93, %lt3A_92 : i1
    %convert_element_type3A_95 = arith.extui %and3A_94 : i1 to i32
    %cond3A_96 = arith.constant 0 : i32
    %cond3A_97 = arith.cmpi ne, %convert_element_type3A_95, %cond3A_96 : i32
    scf.if %cond3A_97 {
      %rem3A = arith.constant 3 : i32
      %rem3A_111 = arith.constant 9 : i32
      %rem3A_112 = arith.remsi %rem3A, %rem3A_111 : i32
      %dma_wait3A = arith.constant 0 : i32
      %dma_wait3A_113 = arith.constant 0 : i32
      %dma_wait3A_114 = tpu.memref_slice %arg5[%rem3A_112, %dma_wait3A, %dma_wait3A_113] : memref<9x2x80xi32, #tpu.memory_space<vmem>> -> memref<1x2x80xi32, #tpu.memory_space<vmem>>
      %dma_wait3A_115 = tpu.memref_squeeze %dma_wait3A_114 : memref<1x2x80xi32, #tpu.memory_space<vmem>> -> memref<2x80xi32, #tpu.memory_space<vmem>>
      %dma_wait3A_116 = arith.constant 0 : i32
      %dma_wait3A_117 = arith.constant 0 : i32
      %dma_wait3A_118 = tpu.memref_slice %arg3[%dma_wait3A_116, %dma_wait3A_117] : memref<2x160000xi32, #tpu.memory_space<hbm>> -> memref<2x80xi32, #tpu.memory_space<hbm>>
      %dma_wait3A_119 = tpu.memref_slice %arg9[%rem3A_112] : memref<9x!tpu.dma_semaphore, #tpu.memory_space<semaphore_mem>> -> memref<1x!tpu.dma_semaphore, #tpu.memory_space<semaphore_mem>>
      %dma_wait3A_120 = tpu.memref_squeeze %dma_wait3A_119 : memref<1x!tpu.dma_semaphore, #tpu.memory_space<semaphore_mem>> -> memref<!tpu.dma_semaphore, #tpu.memory_space<semaphore_mem>>
      %dma_wait3A_121 = arith.constant 0 : i32
      %dma_wait3A_122 = arith.constant 0 : i32
      %dma_wait3A_123 = tpu.memref_slice %arg5[%rem3A_112, %dma_wait3A_121, %dma_wait3A_122] : memref<9x2x80xi32, #tpu.memory_space<vmem>> -> memref<1x2x80xi32, #tpu.memory_space<vmem>>
      %dma_wait3A_124 = tpu.memref_squeeze %dma_wait3A_123 : memref<1x2x80xi32, #tpu.memory_space<vmem>> -> memref<2x80xi32, #tpu.memory_space<vmem>>
      %dma_wait3A_125 = arith.constant 0 : i32
      %dma_wait3A_126 = arith.constant 0 : i32
      %dma_wait3A_127 = tpu.memref_slice %arg3[%dma_wait3A_125, %dma_wait3A_126] : memref<2x160000xi32, #tpu.memory_space<hbm>> -> memref<2x80xi32, #tpu.memory_space<hbm>>
      tpu.wait_dma2 semaphore(%dma_wait3A_120 : memref<!tpu.dma_semaphore, #tpu.memory_space<semaphore_mem>>) src(%dma_wait3A_127 : memref<2x80xi32, #tpu.memory_space<hbm>>) dst(%dma_wait3A_124 : memref<2x80xi32, #tpu.memory_space<vmem>>)
      %dma_start3A = arith.constant 0 : i32
      %dma_start3A_128 = arith.constant 0 : i32
      %dma_start3A_129 = arith.constant 0 : i32
      %dma_start3A_130 = tpu.memref_slice %arg6[%rem3A_112, %dma_start3A_128, %dma_start3A_129] : memref<9x80x64xf32, #tpu.memory_space<vmem>> -> memref<1x80x64xf32, #tpu.memory_space<vmem>>
      %dma_start3A_131 = tpu.memref_squeeze %dma_start3A_130 : memref<1x80x64xf32, #tpu.memory_space<vmem>> -> memref<80x64xf32, #tpu.memory_space<vmem>>
      %dma_start3A_132 = arith.constant 0 : i32
      %dma_start3A_133 = tpu.memref_slice %arg5[%rem3A_112, %dma_start3A, %dma_start3A_132] : memref<9x2x80xi32, #tpu.memory_space<vmem>> -> memref<1x1x80xi32, #tpu.memory_space<vmem>>
      %dma_start3A_134 = tpu.memref_squeeze %dma_start3A_133 : memref<1x1x80xi32, #tpu.memory_space<vmem>> -> memref<80xi32, #tpu.memory_space<vmem>>
      %dma_start3A_135 = arith.constant 0 : i32
      %dma_start3A_136 = arith.constant 0 : i32
      %dma_start3A_137 = tpu.memref_slice %arg2[%dma_start3A_135, %dma_start3A_136] : memref<10000x64xf32, #tpu.memory_space<hbm>> -> memref<10000x64xf32, #tpu.memory_space<hbm>>
      %dma_start3A_138 = tpu.memref_slice %arg10[%rem3A_112] : memref<9x!tpu.dma_semaphore, #tpu.memory_space<semaphore_mem>> -> memref<1x!tpu.dma_semaphore, #tpu.memory_space<semaphore_mem>>
      %dma_start3A_139 = tpu.memref_squeeze %dma_start3A_138 : memref<1x!tpu.dma_semaphore, #tpu.memory_space<semaphore_mem>> -> memref<!tpu.dma_semaphore, #tpu.memory_space<semaphore_mem>>
      tpu.enqueue_indirect_dma source(%dma_start3A_137 : memref<10000x64xf32, #tpu.memory_space<hbm>>) target(%dma_start3A_131 : memref<80x64xf32, #tpu.memory_space<vmem>>) offsets(%dma_start3A_134 : memref<80xi32, #tpu.memory_space<vmem>>) semaphore(%dma_start3A_139 : memref<!tpu.dma_semaphore, #tpu.memory_space<semaphore_mem>>)
    } else {
    }
    %scan3A_98 = arith.constant 0 : i32
    %scan3A_99 = arith.constant 0 : i32
    %scan3A_100 = arith.constant 66 : i32
    %scan3A_101 = arith.addi %scan3A_99, %scan3A_100 : i32
    %scan3A_102 = arith.constant 1 : i32
    scf.for %scan3A_111 = %scan3A_99 to %scan3A_101 step %scan3A_102  : i32 {
      %rem3A = arith.constant 9 : i32
      %rem3A_112 = arith.remsi %scan3A_111, %rem3A : i32
      %add3A_113 = arith.constant 6 : i32
      %add3A_114 = arith.addi %scan3A_111, %add3A_113 : i32
      %rem3A_115 = arith.constant 9 : i32
      %rem3A_116 = arith.remsi %add3A_114, %rem3A_115 : i32
      %sub3A = arith.constant 3 : i32
      %sub3A_117 = arith.subi %scan3A_111, %sub3A : i32
      %ge3A = arith.constant 0 : i32
      %ge3A_118 = arith.cmpi sge, %sub3A_117, %ge3A : i32
      %mul3A_119 = arith.constant 32 : i32
      %mul3A_120 = arith.muli %sub3A_117, %mul3A_119 : i32
      %add3A_121 = arith.addi %add3A, %mul3A_120 : i32
      %lt3A_122 = arith.constant 2000 : i32
      %lt3A_123 = arith.cmpi slt, %add3A_121, %lt3A_122 : i32
      %and3A_124 = arith.andi %ge3A_118, %lt3A_123 : i1
      %convert_element_type3A_125 = arith.extui %and3A_124 : i1 to i32
      %cond3A_126 = arith.constant 0 : i32
      %cond3A_127 = arith.cmpi ne, %convert_element_type3A_125, %cond3A_126 : i32
      scf.if %cond3A_127 {
        %dma_wait3A = arith.constant 1 : i32
        %dma_wait3A_165 = arith.constant 0 : i32
        %dma_wait3A_166 = arith.constant 0 : i32
        %dma_wait3A_167 = tpu.memref_slice %arg6[%rem3A_116, %dma_wait3A_165, %dma_wait3A_166] : memref<9x80x64xf32, #tpu.memory_space<vmem>> -> memref<1x80x64xf32, #tpu.memory_space<vmem>>
        %dma_wait3A_168 = tpu.memref_squeeze %dma_wait3A_167 : memref<1x80x64xf32, #tpu.memory_space<vmem>> -> memref<80x64xf32, #tpu.memory_space<vmem>>
        %dma_wait3A_169 = arith.constant 0 : i32
        %dma_wait3A_170 = tpu.memref_slice %arg5[%rem3A_116, %dma_wait3A, %dma_wait3A_169] : memref<9x2x80xi32, #tpu.memory_space<vmem>> -> memref<1x1x80xi32, #tpu.memory_space<vmem>>
        %dma_wait3A_171 = tpu.memref_squeeze %dma_wait3A_170 : memref<1x1x80xi32, #tpu.memory_space<vmem>> -> memref<80xi32, #tpu.memory_space<vmem>>
        %dma_wait3A_172 = arith.constant 0 : i32
        %dma_wait3A_173 = arith.constant 0 : i32
        %dma_wait3A_174 = tpu.memref_slice %arg8[%dma_wait3A_172, %dma_wait3A_173] : memref<10000x64xf32, #tpu.memory_space<vmem_shared>> -> memref<10000x64xf32, #tpu.memory_space<vmem_shared>>
        %dma_wait3A_175 = tpu.memref_slice %arg11[%rem3A_116] : memref<9x!tpu.dma_semaphore, #tpu.memory_space<semaphore_mem>> -> memref<1x!tpu.dma_semaphore, #tpu.memory_space<semaphore_mem>>
        %dma_wait3A_176 = tpu.memref_squeeze %dma_wait3A_175 : memref<1x!tpu.dma_semaphore, #tpu.memory_space<semaphore_mem>> -> memref<!tpu.dma_semaphore, #tpu.memory_space<semaphore_mem>>
        tpu.wait_indirect_dma semaphore(%dma_wait3A_176 : memref<!tpu.dma_semaphore, #tpu.memory_space<semaphore_mem>>) src(%dma_wait3A_168 : memref<80x64xf32, #tpu.memory_space<vmem>>) dst(%dma_wait3A_174 : memref<10000x64xf32, #tpu.memory_space<vmem_shared>>)
      } else {
      }
      %add3A_128 = arith.constant 6 : i32
      %add3A_129 = arith.addi %scan3A_111, %add3A_128 : i32
      %ge3A_130 = arith.constant 0 : i32
      %ge3A_131 = arith.cmpi sge, %add3A_129, %ge3A_130 : i32
      %mul3A_132 = arith.constant 32 : i32
      %mul3A_133 = arith.muli %add3A_129, %mul3A_132 : i32
      %add3A_134 = arith.addi %add3A, %mul3A_133 : i32
      %lt3A_135 = arith.constant 2000 : i32
      %lt3A_136 = arith.cmpi slt, %add3A_134, %lt3A_135 : i32
      %and3A_137 = arith.andi %ge3A_131, %lt3A_136 : i1
      %convert_element_type3A_138 = arith.extui %and3A_137 : i1 to i32
      %cond3A_139 = arith.constant 0 : i32
      %cond3A_140 = arith.cmpi ne, %convert_element_type3A_138, %cond3A_139 : i32
      scf.if %cond3A_140 {
        %add3A_165 = arith.constant 6 : i32
        %add3A_166 = arith.addi %scan3A_111, %add3A_165 : i32
        %rem3A_167 = arith.constant 9 : i32
        %rem3A_168 = arith.remsi %add3A_166, %rem3A_167 : i32
        %mul3A_169 = arith.constant 32 : i32
        %mul3A_170 = arith.muli %add3A_166, %mul3A_169 : i32
        %add3A_171 = arith.addi %add3A, %mul3A_170 : i32
        %mul3A_172 = arith.constant 80 : i32
        %mul3A_173 = arith.muli %add3A_171, %mul3A_172 : i32
        %dma_start3A = arith.constant 0 : i32
        %dma_start3A_174 = arith.constant 0 : i32
        %dma_start3A_175 = tpu.memref_slice %arg5[%rem3A_168, %dma_start3A, %dma_start3A_174] : memref<9x2x80xi32, #tpu.memory_space<vmem>> -> memref<1x2x80xi32, #tpu.memory_space<vmem>>
        %dma_start3A_176 = tpu.memref_squeeze %dma_start3A_175 : memref<1x2x80xi32, #tpu.memory_space<vmem>> -> memref<2x80xi32, #tpu.memory_space<vmem>>
        %dma_start3A_177 = arith.constant 0 : i32
        %dma_start3A_178 = tpu.memref_slice %arg3[%dma_start3A_177, %mul3A_173] : memref<2x160000xi32, #tpu.memory_space<hbm>> -> memref<2x80xi32, #tpu.memory_space<hbm>>
        %dma_start3A_179 = tpu.memref_slice %arg9[%rem3A_168] : memref<9x!tpu.dma_semaphore, #tpu.memory_space<semaphore_mem>> -> memref<1x!tpu.dma_semaphore, #tpu.memory_space<semaphore_mem>>
        %dma_start3A_180 = tpu.memref_squeeze %dma_start3A_179 : memref<1x!tpu.dma_semaphore, #tpu.memory_space<semaphore_mem>> -> memref<!tpu.dma_semaphore, #tpu.memory_space<semaphore_mem>>
        %dma_start3A_181 = arith.constant 0 : i32
        %dma_start3A_182 = arith.constant 0 : i32
        %dma_start3A_183 = tpu.memref_slice %arg5[%rem3A_168, %dma_start3A_181, %dma_start3A_182] : memref<9x2x80xi32, #tpu.memory_space<vmem>> -> memref<1x2x80xi32, #tpu.memory_space<vmem>>
        %dma_start3A_184 = tpu.memref_squeeze %dma_start3A_183 : memref<1x2x80xi32, #tpu.memory_space<vmem>> -> memref<2x80xi32, #tpu.memory_space<vmem>>
        %dma_start3A_185 = arith.constant 0 : i32
        %dma_start3A_186 = tpu.memref_slice %arg3[%dma_start3A_185, %mul3A_173] : memref<2x160000xi32, #tpu.memory_space<hbm>> -> memref<2x80xi32, #tpu.memory_space<hbm>>
        tpu.enqueue_dma source(%dma_start3A_186 : memref<2x80xi32, #tpu.memory_space<hbm>>) target(%dma_start3A_184 : memref<2x80xi32, #tpu.memory_space<vmem>>) target_semaphore(%dma_start3A_180 : memref<!tpu.dma_semaphore, #tpu.memory_space<semaphore_mem>>)
      } else {
      }
      %add3A_141 = arith.constant 4 : i32
      %add3A_142 = arith.addi %scan3A_111, %add3A_141 : i32
      %ge3A_143 = arith.constant 0 : i32
      %ge3A_144 = arith.cmpi sge, %add3A_142, %ge3A_143 : i32
      %mul3A_145 = arith.constant 32 : i32
      %mul3A_146 = arith.muli %add3A_142, %mul3A_145 : i32
      %add3A_147 = arith.addi %add3A, %mul3A_146 : i32
      %lt3A_148 = arith.constant 2000 : i32
      %lt3A_149 = arith.cmpi slt, %add3A_147, %lt3A_148 : i32
      %and3A_150 = arith.andi %ge3A_144, %lt3A_149 : i1
      %convert_element_type3A_151 = arith.extui %and3A_150 : i1 to i32
      %cond3A_152 = arith.constant 0 : i32
      %cond3A_153 = arith.cmpi ne, %convert_element_type3A_151, %cond3A_152 : i32
      scf.if %cond3A_153 {
        %add3A_165 = arith.constant 4 : i32
        %add3A_166 = arith.addi %scan3A_111, %add3A_165 : i32
        %rem3A_167 = arith.constant 9 : i32
        %rem3A_168 = arith.remsi %add3A_166, %rem3A_167 : i32
        %dma_wait3A = arith.constant 0 : i32
        %dma_wait3A_169 = arith.constant 0 : i32
        %dma_wait3A_170 = tpu.memref_slice %arg5[%rem3A_168, %dma_wait3A, %dma_wait3A_169] : memref<9x2x80xi32, #tpu.memory_space<vmem>> -> memref<1x2x80xi32, #tpu.memory_space<vmem>>
        %dma_wait3A_171 = tpu.memref_squeeze %dma_wait3A_170 : memref<1x2x80xi32, #tpu.memory_space<vmem>> -> memref<2x80xi32, #tpu.memory_space<vmem>>
        %dma_wait3A_172 = arith.constant 0 : i32
        %dma_wait3A_173 = arith.constant 0 : i32
        %dma_wait3A_174 = tpu.memref_slice %arg3[%dma_wait3A_172, %dma_wait3A_173] : memref<2x160000xi32, #tpu.memory_space<hbm>> -> memref<2x80xi32, #tpu.memory_space<hbm>>
        %dma_wait3A_175 = tpu.memref_slice %arg9[%rem3A_168] : memref<9x!tpu.dma_semaphore, #tpu.memory_space<semaphore_mem>> -> memref<1x!tpu.dma_semaphore, #tpu.memory_space<semaphore_mem>>
        %dma_wait3A_176 = tpu.memref_squeeze %dma_wait3A_175 : memref<1x!tpu.dma_semaphore, #tpu.memory_space<semaphore_mem>> -> memref<!tpu.dma_semaphore, #tpu.memory_space<semaphore_mem>>
        %dma_wait3A_177 = arith.constant 0 : i32
        %dma_wait3A_178 = arith.constant 0 : i32
        %dma_wait3A_179 = tpu.memref_slice %arg5[%rem3A_168, %dma_wait3A_177, %dma_wait3A_178] : memref<9x2x80xi32, #tpu.memory_space<vmem>> -> memref<1x2x80xi32, #tpu.memory_space<vmem>>
        %dma_wait3A_180 = tpu.memref_squeeze %dma_wait3A_179 : memref<1x2x80xi32, #tpu.memory_space<vmem>> -> memref<2x80xi32, #tpu.memory_space<vmem>>
        %dma_wait3A_181 = arith.constant 0 : i32
        %dma_wait3A_182 = arith.constant 0 : i32
        %dma_wait3A_183 = tpu.memref_slice %arg3[%dma_wait3A_181, %dma_wait3A_182] : memref<2x160000xi32, #tpu.memory_space<hbm>> -> memref<2x80xi32, #tpu.memory_space<hbm>>
        tpu.wait_dma2 semaphore(%dma_wait3A_176 : memref<!tpu.dma_semaphore, #tpu.memory_space<semaphore_mem>>) src(%dma_wait3A_183 : memref<2x80xi32, #tpu.memory_space<hbm>>) dst(%dma_wait3A_180 : memref<2x80xi32, #tpu.memory_space<vmem>>)
        %dma_start3A = arith.constant 0 : i32
        %dma_start3A_184 = arith.constant 0 : i32
        %dma_start3A_185 = arith.constant 0 : i32
        %dma_start3A_186 = tpu.memref_slice %arg6[%rem3A_168, %dma_start3A_184, %dma_start3A_185] : memref<9x80x64xf32, #tpu.memory_space<vmem>> -> memref<1x80x64xf32, #tpu.memory_space<vmem>>
        %dma_start3A_187 = tpu.memref_squeeze %dma_start3A_186 : memref<1x80x64xf32, #tpu.memory_space<vmem>> -> memref<80x64xf32, #tpu.memory_space<vmem>>
        %dma_start3A_188 = arith.constant 0 : i32
        %dma_start3A_189 = tpu.memref_slice %arg5[%rem3A_168, %dma_start3A, %dma_start3A_188] : memref<9x2x80xi32, #tpu.memory_space<vmem>> -> memref<1x1x80xi32, #tpu.memory_space<vmem>>
        %dma_start3A_190 = tpu.memref_squeeze %dma_start3A_189 : memref<1x1x80xi32, #tpu.memory_space<vmem>> -> memref<80xi32, #tpu.memory_space<vmem>>
        %dma_start3A_191 = arith.constant 0 : i32
        %dma_start3A_192 = arith.constant 0 : i32
        %dma_start3A_193 = tpu.memref_slice %arg2[%dma_start3A_191, %dma_start3A_192] : memref<10000x64xf32, #tpu.memory_space<hbm>> -> memref<10000x64xf32, #tpu.memory_space<hbm>>
        %dma_start3A_194 = tpu.memref_slice %arg10[%rem3A_168] : memref<9x!tpu.dma_semaphore, #tpu.memory_space<semaphore_mem>> -> memref<1x!tpu.dma_semaphore, #tpu.memory_space<semaphore_mem>>
        %dma_start3A_195 = tpu.memref_squeeze %dma_start3A_194 : memref<1x!tpu.dma_semaphore, #tpu.memory_space<semaphore_mem>> -> memref<!tpu.dma_semaphore, #tpu.memory_space<semaphore_mem>>
        tpu.enqueue_indirect_dma source(%dma_start3A_193 : memref<10000x64xf32, #tpu.memory_space<hbm>>) target(%dma_start3A_187 : memref<80x64xf32, #tpu.memory_space<vmem>>) offsets(%dma_start3A_190 : memref<80xi32, #tpu.memory_space<vmem>>) semaphore(%dma_start3A_195 : memref<!tpu.dma_semaphore, #tpu.memory_space<semaphore_mem>>)
      } else {
      }
      %ge3A_154 = arith.constant 0 : i32
      %ge3A_155 = arith.cmpi sge, %scan3A_111, %ge3A_154 : i32
      %mul3A_156 = arith.constant 32 : i32
      %mul3A_157 = arith.muli %scan3A_111, %mul3A_156 : i32
      %add3A_158 = arith.addi %add3A, %mul3A_157 : i32
      %lt3A_159 = arith.constant 2000 : i32
      %lt3A_160 = arith.cmpi slt, %add3A_158, %lt3A_159 : i32
      %and3A_161 = arith.andi %ge3A_155, %lt3A_160 : i1
      %convert_element_type3A_162 = arith.extui %and3A_161 : i1 to i32
      %cond3A_163 = arith.constant 0 : i32
      %cond3A_164 = arith.cmpi ne, %convert_element_type3A_162, %cond3A_163 : i32
      scf.if %cond3A_164 {
        %dma_wait3A = arith.constant 0 : i32
        %dma_wait3A_165 = arith.constant 0 : i32
        %dma_wait3A_166 = arith.constant 0 : i32
        %dma_wait3A_167 = tpu.memref_slice %arg6[%rem3A_112, %dma_wait3A_165, %dma_wait3A_166] : memref<9x80x64xf32, #tpu.memory_space<vmem>> -> memref<1x80x64xf32, #tpu.memory_space<vmem>>
        %dma_wait3A_168 = tpu.memref_squeeze %dma_wait3A_167 : memref<1x80x64xf32, #tpu.memory_space<vmem>> -> memref<80x64xf32, #tpu.memory_space<vmem>>
        %dma_wait3A_169 = arith.constant 0 : i32
        %dma_wait3A_170 = tpu.memref_slice %arg5[%rem3A_112, %dma_wait3A, %dma_wait3A_169] : memref<9x2x80xi32, #tpu.memory_space<vmem>> -> memref<1x1x80xi32, #tpu.memory_space<vmem>>
        %dma_wait3A_171 = tpu.memref_squeeze %dma_wait3A_170 : memref<1x1x80xi32, #tpu.memory_space<vmem>> -> memref<80xi32, #tpu.memory_space<vmem>>
        %dma_wait3A_172 = arith.constant 0 : i32
        %dma_wait3A_173 = arith.constant 0 : i32
        %dma_wait3A_174 = tpu.memref_slice %arg2[%dma_wait3A_172, %dma_wait3A_173] : memref<10000x64xf32, #tpu.memory_space<hbm>> -> memref<10000x64xf32, #tpu.memory_space<hbm>>
        %dma_wait3A_175 = tpu.memref_slice %arg10[%rem3A_112] : memref<9x!tpu.dma_semaphore, #tpu.memory_space<semaphore_mem>> -> memref<1x!tpu.dma_semaphore, #tpu.memory_space<semaphore_mem>>
        %dma_wait3A_176 = tpu.memref_squeeze %dma_wait3A_175 : memref<1x!tpu.dma_semaphore, #tpu.memory_space<semaphore_mem>> -> memref<!tpu.dma_semaphore, #tpu.memory_space<semaphore_mem>>
        tpu.wait_indirect_dma semaphore(%dma_wait3A_176 : memref<!tpu.dma_semaphore, #tpu.memory_space<semaphore_mem>>) src(%dma_wait3A_174 : memref<10000x64xf32, #tpu.memory_space<hbm>>) dst(%dma_wait3A_168 : memref<80x64xf32, #tpu.memory_space<vmem>>)
        %dma_start3A = arith.constant 1 : i32
        %dma_start3A_177 = arith.constant 0 : i32
        %dma_start3A_178 = arith.constant 0 : i32
        %dma_start3A_179 = tpu.memref_slice %arg6[%rem3A_112, %dma_start3A_177, %dma_start3A_178] : memref<9x80x64xf32, #tpu.memory_space<vmem>> -> memref<1x80x64xf32, #tpu.memory_space<vmem>>
        %dma_start3A_180 = tpu.memref_squeeze %dma_start3A_179 : memref<1x80x64xf32, #tpu.memory_space<vmem>> -> memref<80x64xf32, #tpu.memory_space<vmem>>
        %dma_start3A_181 = arith.constant 0 : i32
        %dma_start3A_182 = tpu.memref_slice %arg5[%rem3A_112, %dma_start3A, %dma_start3A_181] : memref<9x2x80xi32, #tpu.memory_space<vmem>> -> memref<1x1x80xi32, #tpu.memory_space<vmem>>
        %dma_start3A_183 = tpu.memref_squeeze %dma_start3A_182 : memref<1x1x80xi32, #tpu.memory_space<vmem>> -> memref<80xi32, #tpu.memory_space<vmem>>
        %dma_start3A_184 = arith.constant 0 : i32
        %dma_start3A_185 = arith.constant 0 : i32
        %dma_start3A_186 = tpu.memref_slice %arg8[%dma_start3A_184, %dma_start3A_185] : memref<10000x64xf32, #tpu.memory_space<vmem_shared>> -> memref<10000x64xf32, #tpu.memory_space<vmem_shared>>
        %dma_start3A_187 = tpu.memref_slice %arg11[%rem3A_112] : memref<9x!tpu.dma_semaphore, #tpu.memory_space<semaphore_mem>> -> memref<1x!tpu.dma_semaphore, #tpu.memory_space<semaphore_mem>>
        %dma_start3A_188 = tpu.memref_squeeze %dma_start3A_187 : memref<1x!tpu.dma_semaphore, #tpu.memory_space<semaphore_mem>> -> memref<!tpu.dma_semaphore, #tpu.memory_space<semaphore_mem>>
        tpu.enqueue_indirect_dma source(%dma_start3A_180 : memref<80x64xf32, #tpu.memory_space<vmem>>) target(%dma_start3A_186 : memref<10000x64xf32, #tpu.memory_space<vmem_shared>>) offsets(%dma_start3A_183 : memref<80xi32, #tpu.memory_space<vmem>>) semaphore(%dma_start3A_188 : memref<!tpu.dma_semaphore, #tpu.memory_space<semaphore_mem>>) {add = true}
      } else {
      }
    }
    %scan3A_103 = arith.constant 66 : i32
    %barrier3A_104 = arith.constant 0 : index
    tpu.barrier barrier_id(%barrier3A_104)
    %scan3A_105 = arith.constant 0 : i32
    %scan3A_106 = arith.constant 0 : i32
    %scan3A_107 = arith.constant 4 : i32
    %scan3A_108 = arith.addi %scan3A_106, %scan3A_107 : i32
    %scan3A_109 = arith.constant 1 : i32
    scf.for %scan3A_111 = %scan3A_106 to %scan3A_108 step %scan3A_109  : i32 {
      %mul3A_112 = arith.constant 16 : i32
      %mul3A_113 = arith.muli %scan3A_111, %mul3A_112 : i32
      %add3A_114 = arith.addi %arg1, %mul3A_113 : i32
      %lt3A_115 = arith.constant 50 : i32
      %lt3A_116 = arith.cmpi slt, %add3A_114, %lt3A_115 : i32
      %convert_element_type3A_117 = arith.extui %lt3A_116 : i1 to i32
      %cond3A_118 = arith.constant 0 : i32
      %cond3A_119 = arith.cmpi ne, %convert_element_type3A_117, %cond3A_118 : i32
      scf.if %cond3A_119 {
        %mul3A_120 = arith.constant 200 : i32
        %mul3A_121 = arith.muli %add3A_114, %mul3A_120 : i32
        "tpu.region"() ({
          %run_scoped3A = tpu.sem_alloc : memref<!tpu.dma_semaphore, #tpu.memory_space<semaphore_mem>>
          %dma_start3A = arith.constant 0 : i32
          %dma_start3A_122 = tpu.memref_slice %arg4[%arg0, %mul3A_121, %dma_start3A] : memref<2x10000x64xf32, #tpu.memory_space<hbm>> -> memref<1x200x64xf32, #tpu.memory_space<hbm>>
          %dma_start3A_123 = tpu.memref_squeeze %dma_start3A_122 : memref<1x200x64xf32, #tpu.memory_space<hbm>> -> memref<200x64xf32, #tpu.memory_space<hbm>>
          %dma_start3A_124 = arith.constant 0 : i32
          %dma_start3A_125 = tpu.memref_slice %arg8[%mul3A_121, %dma_start3A_124] : memref<10000x64xf32, #tpu.memory_space<vmem_shared>> -> memref<200x64xf32, #tpu.memory_space<vmem_shared>>
          tpu.enqueue_dma source(%dma_start3A_125 : memref<200x64xf32, #tpu.memory_space<vmem_shared>>) target(%dma_start3A_123 : memref<200x64xf32, #tpu.memory_space<hbm>>) target_semaphore(%run_scoped3A : memref<!tpu.dma_semaphore, #tpu.memory_space<semaphore_mem>>)
          %dma_wait3A = arith.constant 0 : i32
          %dma_wait3A_126 = tpu.memref_slice %arg4[%arg0, %mul3A_121, %dma_wait3A] : memref<2x10000x64xf32, #tpu.memory_space<hbm>> -> memref<1x200x64xf32, #tpu.memory_space<hbm>>
          %dma_wait3A_127 = tpu.memref_squeeze %dma_wait3A_126 : memref<1x200x64xf32, #tpu.memory_space<hbm>> -> memref<200x64xf32, #tpu.memory_space<hbm>>
          %dma_wait3A_128 = arith.constant 0 : i32
          %dma_wait3A_129 = tpu.memref_slice %arg8[%mul3A_121, %dma_wait3A_128] : memref<10000x64xf32, #tpu.memory_space<vmem_shared>> -> memref<200x64xf32, #tpu.memory_space<vmem_shared>>
          tpu.wait_dma2 semaphore(%run_scoped3A : memref<!tpu.dma_semaphore, #tpu.memory_space<semaphore_mem>>) src(%dma_wait3A_129 : memref<200x64xf32, #tpu.memory_space<vmem_shared>>) dst(%dma_wait3A_127 : memref<200x64xf32, #tpu.memory_space<hbm>>)
          tpu.yield
        }) : () -> ()
      } else {
      }
    }
    %scan3A_110 = arith.constant 4 : i32
    return
  }
}

#map = affine_map<(d0, d1) -> (0, 0)>
#map1 = affine_map<(d0, d1) -> (0, 0, 0)>
module attributes {stable_mosaic.version = 14 : i64} {
  func.func @k(%arg0: i32, %arg1: i32, %arg2: memref<10000x64xf32, #tpu.memory_space<hbm>>, %arg3: memref<2x160000xi32, #tpu.memory_space<hbm>>, %arg4: memref<2x10000x64xf32, #tpu.memory_space<hbm>>, %arg5: memref<9x2x80xi32, #tpu.memory_space<vmem>>, %arg6: memref<9x80x64xf32, #tpu.memory_space<vmem>>, %arg7: memref<40x64xf32, #tpu.memory_space<vmem>>, %arg8: memref<10000x64xf32, #tpu.memory_space<vmem_shared>>, %arg9: memref<9x!tpu.dma_semaphore, #tpu.memory_space<semaphore_mem>>, %arg10: memref<9x!tpu.dma_semaphore, #tpu.memory_space<semaphore_mem>>, %arg11: memref<9x!tpu.dma_semaphore, #tpu.memory_space<semaphore_mem>>) attributes {dimension_semantics = [#tpu.dimension_semantics<core_parallel>, #tpu.dimension_semantics<subcore_parallel>], iteration_bounds = array<i64: 2, 16>, scalar_prefetch = 0 : i64, scratch_operands = 7 : i64, tpu.core_type = #tpu.core_type<sc_vector_subcore>, window_params = [{transform_indices = #map}, {transform_indices = #map}, {transform_indices = #map1}]} {
    %mul3A = arith.constant 16 : i32
    %mul3A_0 = arith.muli %arg0, %mul3A : i32
    %add3A = arith.addi %mul3A_0, %arg1 : i32
    %scan3A = arith.constant 0 : i32
    %scan3A_1 = arith.constant 0 : i32
    %scan3A_2 = arith.constant 40 : i32
    %scan3A_3 = arith.addi %scan3A_1, %scan3A_2 : i32
    %scan3A_4 = arith.constant 1 : i32
    scf.for %scan3A_111 = %scan3A_1 to %scan3A_3 step %scan3A_4  : i32 {
      %broadcast_in_dim3A = arith.constant 0.000000e+00 : f32
      %broadcast_in_dim3A_112 = vector.broadcast %broadcast_in_dim3A : f32 to vector<16xf32>
      %swap3A = arith.index_cast %scan3A_111 : i32 to index
      %swap3A_113 = arith.constant 0 : index
      %swap3A_114 = tpu.vector_load %arg7[%swap3A, %swap3A_113] {strides = array<i32>} : memref<40x64xf32, #tpu.memory_space<vmem>>, vector<1x16xf32>,
      %swap3A_115 = vector.shape_cast %swap3A_114 : vector<1x16xf32> to vector<16xf32>
      %swap3A_116 = vector.shape_cast %broadcast_in_dim3A_112 : vector<16xf32> to vector<1x16xf32>
      tpu.vector_store %arg7[%swap3A, %swap3A_113], %swap3A_116 {strides = array<i32>} : memref<40x64xf32, #tpu.memory_space<vmem>>, vector<1x16xf32>,
      %broadcast_in_dim3A_117 = arith.constant 0.000000e+00 : f32
      %broadcast_in_dim3A_118 = vector.broadcast %broadcast_in_dim3A_117 : f32 to vector<16xf32>
      %swap3A_119 = arith.index_cast %scan3A_111 : i32 to index
      %swap3A_120 = arith.constant 16 : index
      %swap3A_121 = tpu.vector_load %arg7[%swap3A_119, %swap3A_120] {strides = array<i32>} : memref<40x64xf32, #tpu.memory_space<vmem>>, vector<1x16xf32>,
      %swap3A_122 = vector.shape_cast %swap3A_121 : vector<1x16xf32> to vector<16xf32>
      %swap3A_123 = vector.shape_cast %broadcast_in_dim3A_118 : vector<16xf32> to vector<1x16xf32>
      tpu.vector_store %arg7[%swap3A_119, %swap3A_120], %swap3A_123 {strides = array<i32>} : memref<40x64xf32, #tpu.memory_space<vmem>>, vector<1x16xf32>,
      %broadcast_in_dim3A_124 = arith.constant 0.000000e+00 : f32
      %broadcast_in_dim3A_125 = vector.broadcast %broadcast_in_dim3A_124 : f32 to vector<16xf32>
      %swap3A_126 = arith.index_cast %scan3A_111 : i32 to index
      %swap3A_127 = arith.constant 32 : index
      %swap3A_128 = tpu.vector_load %arg7[%swap3A_126, %swap3A_127] {strides = array<i32>} : memref<40x64xf32, #tpu.memory_space<vmem>>, vector<1x16xf32>,
      %swap3A_129 = vector.shape_cast %swap3A_128 : vector<1x16xf32> to vector<16xf32>
      %swap3A_130 = vector.shape_cast %broadcast_in_dim3A_125 : vector<16xf32> to vector<1x16xf32>
      tpu.vector_store %arg7[%swap3A_126, %swap3A_127], %swap3A_130 {strides = array<i32>} : memref<40x64xf32, #tpu.memory_space<vmem>>, vector<1x16xf32>,
      %broadcast_in_dim3A_131 = arith.constant 0.000000e+00 : f32
      %broadcast_in_dim3A_132 = vector.broadcast %broadcast_in_dim3A_131 : f32 to vector<16xf32>
      %swap3A_133 = arith.index_cast %scan3A_111 : i32 to index
      %swap3A_134 = arith.constant 48 : index
      %swap3A_135 = tpu.vector_load %arg7[%swap3A_133, %swap3A_134] {strides = array<i32>} : memref<40x64xf32, #tpu.memory_space<vmem>>, vector<1x16xf32>,
      %swap3A_136 = vector.shape_cast %swap3A_135 : vector<1x16xf32> to vector<16xf32>
      %swap3A_137 = vector.shape_cast %broadcast_in_dim3A_132 : vector<16xf32> to vector<1x16xf32>
      tpu.vector_store %arg7[%swap3A_133, %swap3A_134], %swap3A_137 {strides = array<i32>} : memref<40x64xf32, #tpu.memory_space<vmem>>, vector<1x16xf32>,
    }
    %scan3A_5 = arith.constant 40 : i32
    %scan3A_6 = arith.constant 0 : i32
    %scan3A_7 = arith.constant 0 : i32
    %scan3A_8 = arith.constant 16 : i32
    %scan3A_9 = arith.addi %scan3A_7, %scan3A_8 : i32
    %scan3A_10 = arith.constant 1 : i32
    scf.for %scan3A_111 = %scan3A_7 to %scan3A_9 step %scan3A_10  : i32 {
      %mul3A_112 = arith.constant 16 : i32
      %mul3A_113 = arith.muli %scan3A_111, %mul3A_112 : i32
      %add3A_114 = arith.addi %arg1, %mul3A_113 : i32
      %lt3A_115 = arith.constant 250 : i32
      %lt3A_116 = arith.cmpi slt, %add3A_114, %lt3A_115 : i32
      %convert_element_type3A_117 = arith.extui %lt3A_116 : i1 to i32
      %cond3A_118 = arith.constant 0 : i32
      %cond3A_119 = arith.cmpi ne, %convert_element_type3A_117, %cond3A_118 : i32
      scf.if %cond3A_119 {
        %mul3A_120 = arith.constant 40 : i32
        %mul3A_121 = arith.muli %add3A_114, %mul3A_120 : i32
        "tpu.region"() ({
          %run_scoped3A = tpu.sem_alloc : memref<!tpu.dma_semaphore, #tpu.memory_space<semaphore_mem>>
          %dma_start3A = arith.constant 0 : i32
          %dma_start3A_122 = tpu.memref_slice %arg8[%mul3A_121, %dma_start3A] : memref<10000x64xf32, #tpu.memory_space<vmem_shared>> -> memref<40x64xf32, #tpu.memory_space<vmem_shared>>
          %dma_start3A_123 = arith.constant 0 : i32
          %dma_start3A_124 = tpu.memref_slice %arg8[%mul3A_121, %dma_start3A_123] : memref<10000x64xf32, #tpu.memory_space<vmem_shared>> -> memref<40x64xf32, #tpu.memory_space<vmem_shared>>
          tpu.enqueue_dma source(%arg7 : memref<40x64xf32, #tpu.memory_space<vmem>>) target(%dma_start3A_124 : memref<40x64xf32, #tpu.memory_space<vmem_shared>>) target_semaphore(%run_scoped3A : memref<!tpu.dma_semaphore, #tpu.memory_space<semaphore_mem>>)
          %dma_wait3A = arith.constant 0 : i32
          %dma_wait3A_125 = tpu.memref_slice %arg8[%mul3A_121, %dma_wait3A] : memref<10000x64xf32, #tpu.memory_space<vmem_shared>> -> memref<40x64xf32, #tpu.memory_space<vmem_shared>>
          %dma_wait3A_126 = arith.constant 0 : i32
          %dma_wait3A_127 = tpu.memref_slice %arg8[%mul3A_121, %dma_wait3A_126] : memref<10000x64xf32, #tpu.memory_space<vmem_shared>> -> memref<40x64xf32, #tpu.memory_space<vmem_shared>>
          tpu.wait_dma2 semaphore(%run_scoped3A : memref<!tpu.dma_semaphore, #tpu.memory_space<semaphore_mem>>) src(%arg7 : memref<40x64xf32, #tpu.memory_space<vmem>>) dst(%dma_wait3A_127 : memref<40x64xf32, #tpu.memory_space<vmem_shared>>)
          tpu.yield
        }) : () -> ()
      } else {
      }
    }
    %scan3A_11 = arith.constant 16 : i32
    %barrier3A = arith.constant 0 : index
    tpu.barrier barrier_id(%barrier3A)
    %add3A_12 = arith.constant 0 : i32
    %add3A_13 = arith.addi %add3A, %add3A_12 : i32
    %lt3A = arith.constant 2000 : i32
    %lt3A_14 = arith.cmpi slt, %add3A_13, %lt3A : i32
    %and3A = arith.constant true
    %and3A_15 = arith.andi %and3A, %lt3A_14 : i1
    %convert_element_type3A = arith.extui %and3A_15 : i1 to i32
    %cond3A = arith.constant 0 : i32
    %cond3A_16 = arith.cmpi ne, %convert_element_type3A, %cond3A : i32
    scf.if %cond3A_16 {
      %rem3A = arith.constant 0 : i32
      %rem3A_111 = arith.constant 9 : i32
      %rem3A_112 = arith.remsi %rem3A, %rem3A_111 : i32
      %add3A_113 = arith.constant 0 : i32
      %add3A_114 = arith.addi %add3A, %add3A_113 : i32
      %mul3A_115 = arith.constant 80 : i32
      %mul3A_116 = arith.muli %add3A_114, %mul3A_115 : i32
      %dma_start3A = arith.constant 0 : i32
      %dma_start3A_117 = arith.constant 0 : i32
      %dma_start3A_118 = tpu.memref_slice %arg5[%rem3A_112, %dma_start3A, %dma_start3A_117] : memref<9x2x80xi32, #tpu.memory_space<vmem>> -> memref<1x2x80xi32, #tpu.memory_space<vmem>>
      %dma_start3A_119 = tpu.memref_squeeze %dma_start3A_118 : memref<1x2x80xi32, #tpu.memory_space<vmem>> -> memref<2x80xi32, #tpu.memory_space<vmem>>
      %dma_start3A_120 = arith.constant 0 : i32
      %dma_start3A_121 = tpu.memref_slice %arg3[%dma_start3A_120, %mul3A_116] : memref<2x160000xi32, #tpu.memory_space<hbm>> -> memref<2x80xi32, #tpu.memory_space<hbm>>
      %dma_start3A_122 = tpu.memref_slice %arg9[%rem3A_112] : memref<9x!tpu.dma_semaphore, #tpu.memory_space<semaphore_mem>> -> memref<1x!tpu.dma_semaphore, #tpu.memory_space<semaphore_mem>>
      %dma_start3A_123 = tpu.memref_squeeze %dma_start3A_122 : memref<1x!tpu.dma_semaphore, #tpu.memory_space<semaphore_mem>> -> memref<!tpu.dma_semaphore, #tpu.memory_space<semaphore_mem>>
      %dma_start3A_124 = arith.constant 0 : i32
      %dma_start3A_125 = arith.constant 0 : i32
      %dma_start3A_126 = tpu.memref_slice %arg5[%rem3A_112, %dma_start3A_124, %dma_start3A_125] : memref<9x2x80xi32, #tpu.memory_space<vmem>> -> memref<1x2x80xi32, #tpu.memory_space<vmem>>
      %dma_start3A_127 = tpu.memref_squeeze %dma_start3A_126 : memref<1x2x80xi32, #tpu.memory_space<vmem>> -> memref<2x80xi32, #tpu.memory_space<vmem>>
      %dma_start3A_128 = arith.constant 0 : i32
      %dma_start3A_129 = tpu.memref_slice %arg3[%dma_start3A_128, %mul3A_116] : memref<2x160000xi32, #tpu.memory_space<hbm>> -> memref<2x80xi32, #tpu.memory_space<hbm>>
      tpu.enqueue_dma source(%dma_start3A_129 : memref<2x80xi32, #tpu.memory_space<hbm>>) target(%dma_start3A_127 : memref<2x80xi32, #tpu.memory_space<vmem>>) target_semaphore(%dma_start3A_123 : memref<!tpu.dma_semaphore, #tpu.memory_space<semaphore_mem>>)
    } else {
    }
    %add3A_17 = arith.constant 32 : i32
    %add3A_18 = arith.addi %add3A, %add3A_17 : i32
    %lt3A_19 = arith.constant 2000 : i32
    %lt3A_20 = arith.cmpi slt, %add3A_18, %lt3A_19 : i32
    %and3A_21 = arith.constant true
    %and3A_22 = arith.andi %and3A_21, %lt3A_20 : i1
    %convert_element_type3A_23 = arith.extui %and3A_22 : i1 to i32
    %cond3A_24 = arith.constant 0 : i32
    %cond3A_25 = arith.cmpi ne, %convert_element_type3A_23, %cond3A_24 : i32
    scf.if %cond3A_25 {
      %rem3A = arith.constant 1 : i32
      %rem3A_111 = arith.constant 9 : i32
      %rem3A_112 = arith.remsi %rem3A, %rem3A_111 : i32
      %add3A_113 = arith.constant 32 : i32
      %add3A_114 = arith.addi %add3A, %add3A_113 : i32
      %mul3A_115 = arith.constant 80 : i32
      %mul3A_116 = arith.muli %add3A_114, %mul3A_115 : i32
      %dma_start3A = arith.constant 0 : i32
      %dma_start3A_117 = arith.constant 0 : i32
      %dma_start3A_118 = tpu.memref_slice %arg5[%rem3A_112, %dma_start3A, %dma_start3A_117] : memref<9x2x80xi32, #tpu.memory_space<vmem>> -> memref<1x2x80xi32, #tpu.memory_space<vmem>>
      %dma_start3A_119 = tpu.memref_squeeze %dma_start3A_118 : memref<1x2x80xi32, #tpu.memory_space<vmem>> -> memref<2x80xi32, #tpu.memory_space<vmem>>
      %dma_start3A_120 = arith.constant 0 : i32
      %dma_start3A_121 = tpu.memref_slice %arg3[%dma_start3A_120, %mul3A_116] : memref<2x160000xi32, #tpu.memory_space<hbm>> -> memref<2x80xi32, #tpu.memory_space<hbm>>
      %dma_start3A_122 = tpu.memref_slice %arg9[%rem3A_112] : memref<9x!tpu.dma_semaphore, #tpu.memory_space<semaphore_mem>> -> memref<1x!tpu.dma_semaphore, #tpu.memory_space<semaphore_mem>>
      %dma_start3A_123 = tpu.memref_squeeze %dma_start3A_122 : memref<1x!tpu.dma_semaphore, #tpu.memory_space<semaphore_mem>> -> memref<!tpu.dma_semaphore, #tpu.memory_space<semaphore_mem>>
      %dma_start3A_124 = arith.constant 0 : i32
      %dma_start3A_125 = arith.constant 0 : i32
      %dma_start3A_126 = tpu.memref_slice %arg5[%rem3A_112, %dma_start3A_124, %dma_start3A_125] : memref<9x2x80xi32, #tpu.memory_space<vmem>> -> memref<1x2x80xi32, #tpu.memory_space<vmem>>
      %dma_start3A_127 = tpu.memref_squeeze %dma_start3A_126 : memref<1x2x80xi32, #tpu.memory_space<vmem>> -> memref<2x80xi32, #tpu.memory_space<vmem>>
      %dma_start3A_128 = arith.constant 0 : i32
      %dma_start3A_129 = tpu.memref_slice %arg3[%dma_start3A_128, %mul3A_116] : memref<2x160000xi32, #tpu.memory_space<hbm>> -> memref<2x80xi32, #tpu.memory_space<hbm>>
      tpu.enqueue_dma source(%dma_start3A_129 : memref<2x80xi32, #tpu.memory_space<hbm>>) target(%dma_start3A_127 : memref<2x80xi32, #tpu.memory_space<vmem>>) target_semaphore(%dma_start3A_123 : memref<!tpu.dma_semaphore, #tpu.memory_space<semaphore_mem>>)
    } else {
    }
    %add3A_26 = arith.constant 64 : i32
    %add3A_27 = arith.addi %add3A, %add3A_26 : i32
    %lt3A_28 = arith.constant 2000 : i32
    %lt3A_29 = arith.cmpi slt, %add3A_27, %lt3A_28 : i32
    %and3A_30 = arith.constant true
    %and3A_31 = arith.andi %and3A_30, %lt3A_29 : i1
    %convert_element_type3A_32 = arith.extui %and3A_31 : i1 to i32
    %cond3A_33 = arith.constant 0 : i32
    %cond3A_34 = arith.cmpi ne, %convert_element_type3A_32, %cond3A_33 : i32
    scf.if %cond3A_34 {
      %rem3A = arith.constant 2 : i32
      %rem3A_111 = arith.constant 9 : i32
      %rem3A_112 = arith.remsi %rem3A, %rem3A_111 : i32
      %add3A_113 = arith.constant 64 : i32
      %add3A_114 = arith.addi %add3A, %add3A_113 : i32
      %mul3A_115 = arith.constant 80 : i32
      %mul3A_116 = arith.muli %add3A_114, %mul3A_115 : i32
      %dma_start3A = arith.constant 0 : i32
      %dma_start3A_117 = arith.constant 0 : i32
      %dma_start3A_118 = tpu.memref_slice %arg5[%rem3A_112, %dma_start3A, %dma_start3A_117] : memref<9x2x80xi32, #tpu.memory_space<vmem>> -> memref<1x2x80xi32, #tpu.memory_space<vmem>>
      %dma_start3A_119 = tpu.memref_squeeze %dma_start3A_118 : memref<1x2x80xi32, #tpu.memory_space<vmem>> -> memref<2x80xi32, #tpu.memory_space<vmem>>
      %dma_start3A_120 = arith.constant 0 : i32
      %dma_start3A_121 = tpu.memref_slice %arg3[%dma_start3A_120, %mul3A_116] : memref<2x160000xi32, #tpu.memory_space<hbm>> -> memref<2x80xi32, #tpu.memory_space<hbm>>
      %dma_start3A_122 = tpu.memref_slice %arg9[%rem3A_112] : memref<9x!tpu.dma_semaphore, #tpu.memory_space<semaphore_mem>> -> memref<1x!tpu.dma_semaphore, #tpu.memory_space<semaphore_mem>>
      %dma_start3A_123 = tpu.memref_squeeze %dma_start3A_122 : memref<1x!tpu.dma_semaphore, #tpu.memory_space<semaphore_mem>> -> memref<!tpu.dma_semaphore, #tpu.memory_space<semaphore_mem>>
      %dma_start3A_124 = arith.constant 0 : i32
      %dma_start3A_125 = arith.constant 0 : i32
      %dma_start3A_126 = tpu.memref_slice %arg5[%rem3A_112, %dma_start3A_124, %dma_start3A_125] : memref<9x2x80xi32, #tpu.memory_space<vmem>> -> memref<1x2x80xi32, #tpu.memory_space<vmem>>
      %dma_start3A_127 = tpu.memref_squeeze %dma_start3A_126 : memref<1x2x80xi32, #tpu.memory_space<vmem>> -> memref<2x80xi32, #tpu.memory_space<vmem>>
      %dma_start3A_128 = arith.constant 0 : i32
      %dma_start3A_129 = tpu.memref_slice %arg3[%dma_start3A_128, %mul3A_116] : memref<2x160000xi32, #tpu.memory_space<hbm>> -> memref<2x80xi32, #tpu.memory_space<hbm>>
      tpu.enqueue_dma source(%dma_start3A_129 : memref<2x80xi32, #tpu.memory_space<hbm>>) target(%dma_start3A_127 : memref<2x80xi32, #tpu.memory_space<vmem>>) target_semaphore(%dma_start3A_123 : memref<!tpu.dma_semaphore, #tpu.memory_space<semaphore_mem>>)
    } else {
    }
    %add3A_35 = arith.constant 96 : i32
    %add3A_36 = arith.addi %add3A, %add3A_35 : i32
    %lt3A_37 = arith.constant 2000 : i32
    %lt3A_38 = arith.cmpi slt, %add3A_36, %lt3A_37 : i32
    %and3A_39 = arith.constant true
    %and3A_40 = arith.andi %and3A_39, %lt3A_38 : i1
    %convert_element_type3A_41 = arith.extui %and3A_40 : i1 to i32
    %cond3A_42 = arith.constant 0 : i32
    %cond3A_43 = arith.cmpi ne, %convert_element_type3A_41, %cond3A_42 : i32
    scf.if %cond3A_43 {
      %rem3A = arith.constant 3 : i32
      %rem3A_111 = arith.constant 9 : i32
      %rem3A_112 = arith.remsi %rem3A, %rem3A_111 : i32
      %add3A_113 = arith.constant 96 : i32
      %add3A_114 = arith.addi %add3A, %add3A_113 : i32
      %mul3A_115 = arith.constant 80 : i32
      %mul3A_116 = arith.muli %add3A_114, %mul3A_115 : i32
      %dma_start3A = arith.constant 0 : i32
      %dma_start3A_117 = arith.constant 0 : i32
      %dma_start3A_118 = tpu.memref_slice %arg5[%rem3A_112, %dma_start3A, %dma_start3A_117] : memref<9x2x80xi32, #tpu.memory_space<vmem>> -> memref<1x2x80xi32, #tpu.memory_space<vmem>>
      %dma_start3A_119 = tpu.memref_squeeze %dma_start3A_118 : memref<1x2x80xi32, #tpu.memory_space<vmem>> -> memref<2x80xi32, #tpu.memory_space<vmem>>
      %dma_start3A_120 = arith.constant 0 : i32
      %dma_start3A_121 = tpu.memref_slice %arg3[%dma_start3A_120, %mul3A_116] : memref<2x160000xi32, #tpu.memory_space<hbm>> -> memref<2x80xi32, #tpu.memory_space<hbm>>
      %dma_start3A_122 = tpu.memref_slice %arg9[%rem3A_112] : memref<9x!tpu.dma_semaphore, #tpu.memory_space<semaphore_mem>> -> memref<1x!tpu.dma_semaphore, #tpu.memory_space<semaphore_mem>>
      %dma_start3A_123 = tpu.memref_squeeze %dma_start3A_122 : memref<1x!tpu.dma_semaphore, #tpu.memory_space<semaphore_mem>> -> memref<!tpu.dma_semaphore, #tpu.memory_space<semaphore_mem>>
      %dma_start3A_124 = arith.constant 0 : i32
      %dma_start3A_125 = arith.constant 0 : i32
      %dma_start3A_126 = tpu.memref_slice %arg5[%rem3A_112, %dma_start3A_124, %dma_start3A_125] : memref<9x2x80xi32, #tpu.memory_space<vmem>> -> memref<1x2x80xi32, #tpu.memory_space<vmem>>
      %dma_start3A_127 = tpu.memref_squeeze %dma_start3A_126 : memref<1x2x80xi32, #tpu.memory_space<vmem>> -> memref<2x80xi32, #tpu.memory_space<vmem>>
      %dma_start3A_128 = arith.constant 0 : i32
      %dma_start3A_129 = tpu.memref_slice %arg3[%dma_start3A_128, %mul3A_116] : memref<2x160000xi32, #tpu.memory_space<hbm>> -> memref<2x80xi32, #tpu.memory_space<hbm>>
      tpu.enqueue_dma source(%dma_start3A_129 : memref<2x80xi32, #tpu.memory_space<hbm>>) target(%dma_start3A_127 : memref<2x80xi32, #tpu.memory_space<vmem>>) target_semaphore(%dma_start3A_123 : memref<!tpu.dma_semaphore, #tpu.memory_space<semaphore_mem>>)
    } else {
    }
    %add3A_44 = arith.constant 128 : i32
    %add3A_45 = arith.addi %add3A, %add3A_44 : i32
    %lt3A_46 = arith.constant 2000 : i32
    %lt3A_47 = arith.cmpi slt, %add3A_45, %lt3A_46 : i32
    %and3A_48 = arith.constant true
    %and3A_49 = arith.andi %and3A_48, %lt3A_47 : i1
    %convert_element_type3A_50 = arith.extui %and3A_49 : i1 to i32
    %cond3A_51 = arith.constant 0 : i32
    %cond3A_52 = arith.cmpi ne, %convert_element_type3A_50, %cond3A_51 : i32
    scf.if %cond3A_52 {
      %rem3A = arith.constant 4 : i32
      %rem3A_111 = arith.constant 9 : i32
      %rem3A_112 = arith.remsi %rem3A, %rem3A_111 : i32
      %add3A_113 = arith.constant 128 : i32
      %add3A_114 = arith.addi %add3A, %add3A_113 : i32
      %mul3A_115 = arith.constant 80 : i32
      %mul3A_116 = arith.muli %add3A_114, %mul3A_115 : i32
      %dma_start3A = arith.constant 0 : i32
      %dma_start3A_117 = arith.constant 0 : i32
      %dma_start3A_118 = tpu.memref_slice %arg5[%rem3A_112, %dma_start3A, %dma_start3A_117] : memref<9x2x80xi32, #tpu.memory_space<vmem>> -> memref<1x2x80xi32, #tpu.memory_space<vmem>>
      %dma_start3A_119 = tpu.memref_squeeze %dma_start3A_118 : memref<1x2x80xi32, #tpu.memory_space<vmem>> -> memref<2x80xi32, #tpu.memory_space<vmem>>
      %dma_start3A_120 = arith.constant 0 : i32
      %dma_start3A_121 = tpu.memref_slice %arg3[%dma_start3A_120, %mul3A_116] : memref<2x160000xi32, #tpu.memory_space<hbm>> -> memref<2x80xi32, #tpu.memory_space<hbm>>
      %dma_start3A_122 = tpu.memref_slice %arg9[%rem3A_112] : memref<9x!tpu.dma_semaphore, #tpu.memory_space<semaphore_mem>> -> memref<1x!tpu.dma_semaphore, #tpu.memory_space<semaphore_mem>>
      %dma_start3A_123 = tpu.memref_squeeze %dma_start3A_122 : memref<1x!tpu.dma_semaphore, #tpu.memory_space<semaphore_mem>> -> memref<!tpu.dma_semaphore, #tpu.memory_space<semaphore_mem>>
      %dma_start3A_124 = arith.constant 0 : i32
      %dma_start3A_125 = arith.constant 0 : i32
      %dma_start3A_126 = tpu.memref_slice %arg5[%rem3A_112, %dma_start3A_124, %dma_start3A_125] : memref<9x2x80xi32, #tpu.memory_space<vmem>> -> memref<1x2x80xi32, #tpu.memory_space<vmem>>
      %dma_start3A_127 = tpu.memref_squeeze %dma_start3A_126 : memref<1x2x80xi32, #tpu.memory_space<vmem>> -> memref<2x80xi32, #tpu.memory_space<vmem>>
      %dma_start3A_128 = arith.constant 0 : i32
      %dma_start3A_129 = tpu.memref_slice %arg3[%dma_start3A_128, %mul3A_116] : memref<2x160000xi32, #tpu.memory_space<hbm>> -> memref<2x80xi32, #tpu.memory_space<hbm>>
      tpu.enqueue_dma source(%dma_start3A_129 : memref<2x80xi32, #tpu.memory_space<hbm>>) target(%dma_start3A_127 : memref<2x80xi32, #tpu.memory_space<vmem>>) target_semaphore(%dma_start3A_123 : memref<!tpu.dma_semaphore, #tpu.memory_space<semaphore_mem>>)
    } else {
    }
    %add3A_53 = arith.constant 160 : i32
    %add3A_54 = arith.addi %add3A, %add3A_53 : i32
    %lt3A_55 = arith.constant 2000 : i32
    %lt3A_56 = arith.cmpi slt, %add3A_54, %lt3A_55 : i32
    %and3A_57 = arith.constant true
    %and3A_58 = arith.andi %and3A_57, %lt3A_56 : i1
    %convert_element_type3A_59 = arith.extui %and3A_58 : i1 to i32
    %cond3A_60 = arith.constant 0 : i32
    %cond3A_61 = arith.cmpi ne, %convert_element_type3A_59, %cond3A_60 : i32
    scf.if %cond3A_61 {
      %rem3A = arith.constant 5 : i32
      %rem3A_111 = arith.constant 9 : i32
      %rem3A_112 = arith.remsi %rem3A, %rem3A_111 : i32
      %add3A_113 = arith.constant 160 : i32
      %add3A_114 = arith.addi %add3A, %add3A_113 : i32
      %mul3A_115 = arith.constant 80 : i32
      %mul3A_116 = arith.muli %add3A_114, %mul3A_115 : i32
      %dma_start3A = arith.constant 0 : i32
      %dma_start3A_117 = arith.constant 0 : i32
      %dma_start3A_118 = tpu.memref_slice %arg5[%rem3A_112, %dma_start3A, %dma_start3A_117] : memref<9x2x80xi32, #tpu.memory_space<vmem>> -> memref<1x2x80xi32, #tpu.memory_space<vmem>>
      %dma_start3A_119 = tpu.memref_squeeze %dma_start3A_118 : memref<1x2x80xi32, #tpu.memory_space<vmem>> -> memref<2x80xi32, #tpu.memory_space<vmem>>
      %dma_start3A_120 = arith.constant 0 : i32
      %dma_start3A_121 = tpu.memref_slice %arg3[%dma_start3A_120, %mul3A_116] : memref<2x160000xi32, #tpu.memory_space<hbm>> -> memref<2x80xi32, #tpu.memory_space<hbm>>
      %dma_start3A_122 = tpu.memref_slice %arg9[%rem3A_112] : memref<9x!tpu.dma_semaphore, #tpu.memory_space<semaphore_mem>> -> memref<1x!tpu.dma_semaphore, #tpu.memory_space<semaphore_mem>>
      %dma_start3A_123 = tpu.memref_squeeze %dma_start3A_122 : memref<1x!tpu.dma_semaphore, #tpu.memory_space<semaphore_mem>> -> memref<!tpu.dma_semaphore, #tpu.memory_space<semaphore_mem>>
      %dma_start3A_124 = arith.constant 0 : i32
      %dma_start3A_125 = arith.constant 0 : i32
      %dma_start3A_126 = tpu.memref_slice %arg5[%rem3A_112, %dma_start3A_124, %dma_start3A_125] : memref<9x2x80xi32, #tpu.memory_space<vmem>> -> memref<1x2x80xi32, #tpu.memory_space<vmem>>
      %dma_start3A_127 = tpu.memref_squeeze %dma_start3A_126 : memref<1x2x80xi32, #tpu.memory_space<vmem>> -> memref<2x80xi32, #tpu.memory_space<vmem>>
      %dma_start3A_128 = arith.constant 0 : i32
      %dma_start3A_129 = tpu.memref_slice %arg3[%dma_start3A_128, %mul3A_116] : memref<2x160000xi32, #tpu.memory_space<hbm>> -> memref<2x80xi32, #tpu.memory_space<hbm>>
      tpu.enqueue_dma source(%dma_start3A_129 : memref<2x80xi32, #tpu.memory_space<hbm>>) target(%dma_start3A_127 : memref<2x80xi32, #tpu.memory_space<vmem>>) target_semaphore(%dma_start3A_123 : memref<!tpu.dma_semaphore, #tpu.memory_space<semaphore_mem>>)
    } else {
    }
    %add3A_62 = arith.constant 0 : i32
    %add3A_63 = arith.addi %add3A, %add3A_62 : i32
    %lt3A_64 = arith.constant 2000 : i32
    %lt3A_65 = arith.cmpi slt, %add3A_63, %lt3A_64 : i32
    %and3A_66 = arith.constant true
    %and3A_67 = arith.andi %and3A_66, %lt3A_65 : i1
    %convert_element_type3A_68 = arith.extui %and3A_67 : i1 to i32
    %cond3A_69 = arith.constant 0 : i32
    %cond3A_70 = arith.cmpi ne, %convert_element_type3A_68, %cond3A_69 : i32
    scf.if %cond3A_70 {
      %rem3A = arith.constant 0 : i32
      %rem3A_111 = arith.constant 9 : i32
      %rem3A_112 = arith.remsi %rem3A, %rem3A_111 : i32
      %dma_wait3A = arith.constant 0 : i32
      %dma_wait3A_113 = arith.constant 0 : i32
      %dma_wait3A_114 = tpu.memref_slice %arg5[%rem3A_112, %dma_wait3A, %dma_wait3A_113] : memref<9x2x80xi32, #tpu.memory_space<vmem>> -> memref<1x2x80xi32, #tpu.memory_space<vmem>>
      %dma_wait3A_115 = tpu.memref_squeeze %dma_wait3A_114 : memref<1x2x80xi32, #tpu.memory_space<vmem>> -> memref<2x80xi32, #tpu.memory_space<vmem>>
      %dma_wait3A_116 = arith.constant 0 : i32
      %dma_wait3A_117 = arith.constant 0 : i32
      %dma_wait3A_118 = tpu.memref_slice %arg3[%dma_wait3A_116, %dma_wait3A_117] : memref<2x160000xi32, #tpu.memory_space<hbm>> -> memref<2x80xi32, #tpu.memory_space<hbm>>
      %dma_wait3A_119 = tpu.memref_slice %arg9[%rem3A_112] : memref<9x!tpu.dma_semaphore, #tpu.memory_space<semaphore_mem>> -> memref<1x!tpu.dma_semaphore, #tpu.memory_space<semaphore_mem>>
      %dma_wait3A_120 = tpu.memref_squeeze %dma_wait3A_119 : memref<1x!tpu.dma_semaphore, #tpu.memory_space<semaphore_mem>> -> memref<!tpu.dma_semaphore, #tpu.memory_space<semaphore_mem>>
      %dma_wait3A_121 = arith.constant 0 : i32
      %dma_wait3A_122 = arith.constant 0 : i32
      %dma_wait3A_123 = tpu.memref_slice %arg5[%rem3A_112, %dma_wait3A_121, %dma_wait3A_122] : memref<9x2x80xi32, #tpu.memory_space<vmem>> -> memref<1x2x80xi32, #tpu.memory_space<vmem>>
      %dma_wait3A_124 = tpu.memref_squeeze %dma_wait3A_123 : memref<1x2x80xi32, #tpu.memory_space<vmem>> -> memref<2x80xi32, #tpu.memory_space<vmem>>
      %dma_wait3A_125 = arith.constant 0 : i32
      %dma_wait3A_126 = arith.constant 0 : i32
      %dma_wait3A_127 = tpu.memref_slice %arg3[%dma_wait3A_125, %dma_wait3A_126] : memref<2x160000xi32, #tpu.memory_space<hbm>> -> memref<2x80xi32, #tpu.memory_space<hbm>>
      tpu.wait_dma2 semaphore(%dma_wait3A_120 : memref<!tpu.dma_semaphore, #tpu.memory_space<semaphore_mem>>) src(%dma_wait3A_127 : memref<2x80xi32, #tpu.memory_space<hbm>>) dst(%dma_wait3A_124 : memref<2x80xi32, #tpu.memory_space<vmem>>)
      %dma_start3A = arith.constant 0 : i32
      %dma_start3A_128 = arith.constant 0 : i32
      %dma_start3A_129 = arith.constant 0 : i32
      %dma_start3A_130 = tpu.memref_slice %arg6[%rem3A_112, %dma_start3A_128, %dma_start3A_129] : memref<9x80x64xf32, #tpu.memory_space<vmem>> -> memref<1x80x64xf32, #tpu.memory_space<vmem>>
      %dma_start3A_131 = tpu.memref_squeeze %dma_start3A_130 : memref<1x80x64xf32, #tpu.memory_space<vmem>> -> memref<80x64xf32, #tpu.memory_space<vmem>>
      %dma_start3A_132 = arith.constant 0 : i32
      %dma_start3A_133 = tpu.memref_slice %arg5[%rem3A_112, %dma_start3A, %dma_start3A_132] : memref<9x2x80xi32, #tpu.memory_space<vmem>> -> memref<1x1x80xi32, #tpu.memory_space<vmem>>
      %dma_start3A_134 = tpu.memref_squeeze %dma_start3A_133 : memref<1x1x80xi32, #tpu.memory_space<vmem>> -> memref<80xi32, #tpu.memory_space<vmem>>
      %dma_start3A_135 = arith.constant 0 : i32
      %dma_start3A_136 = arith.constant 0 : i32
      %dma_start3A_137 = tpu.memref_slice %arg2[%dma_start3A_135, %dma_start3A_136] : memref<10000x64xf32, #tpu.memory_space<hbm>> -> memref<10000x64xf32, #tpu.memory_space<hbm>>
      %dma_start3A_138 = tpu.memref_slice %arg10[%rem3A_112] : memref<9x!tpu.dma_semaphore, #tpu.memory_space<semaphore_mem>> -> memref<1x!tpu.dma_semaphore, #tpu.memory_space<semaphore_mem>>
      %dma_start3A_139 = tpu.memref_squeeze %dma_start3A_138 : memref<1x!tpu.dma_semaphore, #tpu.memory_space<semaphore_mem>> -> memref<!tpu.dma_semaphore, #tpu.memory_space<semaphore_mem>>
      tpu.enqueue_indirect_dma source(%dma_start3A_137 : memref<10000x64xf32, #tpu.memory_space<hbm>>) target(%dma_start3A_131 : memref<80x64xf32, #tpu.memory_space<vmem>>) offsets(%dma_start3A_134 : memref<80xi32, #tpu.memory_space<vmem>>) semaphore(%dma_start3A_139 : memref<!tpu.dma_semaphore, #tpu.memory_space<semaphore_mem>>)
    } else {
    }
    %add3A_71 = arith.constant 32 : i32
    %add3A_72 = arith.addi %add3A, %add3A_71 : i32
    %lt3A_73 = arith.constant 2000 : i32
    %lt3A_74 = arith.cmpi slt, %add3A_72, %lt3A_73 : i32
    %and3A_75 = arith.constant true
    %and3A_76 = arith.andi %and3A_75, %lt3A_74 : i1
    %convert_element_type3A_77 = arith.extui %and3A_76 : i1 to i32
    %cond3A_78 = arith.constant 0 : i32
    %cond3A_79 = arith.cmpi ne, %convert_element_type3A_77, %cond3A_78 : i32
    scf.if %cond3A_79 {
      %rem3A = arith.constant 1 : i32
      %rem3A_111 = arith.constant 9 : i32
      %rem3A_112 = arith.remsi %rem3A, %rem3A_111 : i32
      %dma_wait3A = arith.constant 0 : i32
      %dma_wait3A_113 = arith.constant 0 : i32
      %dma_wait3A_114 = tpu.memref_slice %arg5[%rem3A_112, %dma_wait3A, %dma_wait3A_113] : memref<9x2x80xi32, #tpu.memory_space<vmem>> -> memref<1x2x80xi32, #tpu.memory_space<vmem>>
      %dma_wait3A_115 = tpu.memref_squeeze %dma_wait3A_114 : memref<1x2x80xi32, #tpu.memory_space<vmem>> -> memref<2x80xi32, #tpu.memory_space<vmem>>
      %dma_wait3A_116 = arith.constant 0 : i32
      %dma_wait3A_117 = arith.constant 0 : i32
      %dma_wait3A_118 = tpu.memref_slice %arg3[%dma_wait3A_116, %dma_wait3A_117] : memref<2x160000xi32, #tpu.memory_space<hbm>> -> memref<2x80xi32, #tpu.memory_space<hbm>>
      %dma_wait3A_119 = tpu.memref_slice %arg9[%rem3A_112] : memref<9x!tpu.dma_semaphore, #tpu.memory_space<semaphore_mem>> -> memref<1x!tpu.dma_semaphore, #tpu.memory_space<semaphore_mem>>
      %dma_wait3A_120 = tpu.memref_squeeze %dma_wait3A_119 : memref<1x!tpu.dma_semaphore, #tpu.memory_space<semaphore_mem>> -> memref<!tpu.dma_semaphore, #tpu.memory_space<semaphore_mem>>
      %dma_wait3A_121 = arith.constant 0 : i32
      %dma_wait3A_122 = arith.constant 0 : i32
      %dma_wait3A_123 = tpu.memref_slice %arg5[%rem3A_112, %dma_wait3A_121, %dma_wait3A_122] : memref<9x2x80xi32, #tpu.memory_space<vmem>> -> memref<1x2x80xi32, #tpu.memory_space<vmem>>
      %dma_wait3A_124 = tpu.memref_squeeze %dma_wait3A_123 : memref<1x2x80xi32, #tpu.memory_space<vmem>> -> memref<2x80xi32, #tpu.memory_space<vmem>>
      %dma_wait3A_125 = arith.constant 0 : i32
      %dma_wait3A_126 = arith.constant 0 : i32
      %dma_wait3A_127 = tpu.memref_slice %arg3[%dma_wait3A_125, %dma_wait3A_126] : memref<2x160000xi32, #tpu.memory_space<hbm>> -> memref<2x80xi32, #tpu.memory_space<hbm>>
      tpu.wait_dma2 semaphore(%dma_wait3A_120 : memref<!tpu.dma_semaphore, #tpu.memory_space<semaphore_mem>>) src(%dma_wait3A_127 : memref<2x80xi32, #tpu.memory_space<hbm>>) dst(%dma_wait3A_124 : memref<2x80xi32, #tpu.memory_space<vmem>>)
      %dma_start3A = arith.constant 0 : i32
      %dma_start3A_128 = arith.constant 0 : i32
      %dma_start3A_129 = arith.constant 0 : i32
      %dma_start3A_130 = tpu.memref_slice %arg6[%rem3A_112, %dma_start3A_128, %dma_start3A_129] : memref<9x80x64xf32, #tpu.memory_space<vmem>> -> memref<1x80x64xf32, #tpu.memory_space<vmem>>
      %dma_start3A_131 = tpu.memref_squeeze %dma_start3A_130 : memref<1x80x64xf32, #tpu.memory_space<vmem>> -> memref<80x64xf32, #tpu.memory_space<vmem>>
      %dma_start3A_132 = arith.constant 0 : i32
      %dma_start3A_133 = tpu.memref_slice %arg5[%rem3A_112, %dma_start3A, %dma_start3A_132] : memref<9x2x80xi32, #tpu.memory_space<vmem>> -> memref<1x1x80xi32, #tpu.memory_space<vmem>>
      %dma_start3A_134 = tpu.memref_squeeze %dma_start3A_133 : memref<1x1x80xi32, #tpu.memory_space<vmem>> -> memref<80xi32, #tpu.memory_space<vmem>>
      %dma_start3A_135 = arith.constant 0 : i32
      %dma_start3A_136 = arith.constant 0 : i32
      %dma_start3A_137 = tpu.memref_slice %arg2[%dma_start3A_135, %dma_start3A_136] : memref<10000x64xf32, #tpu.memory_space<hbm>> -> memref<10000x64xf32, #tpu.memory_space<hbm>>
      %dma_start3A_138 = tpu.memref_slice %arg10[%rem3A_112] : memref<9x!tpu.dma_semaphore, #tpu.memory_space<semaphore_mem>> -> memref<1x!tpu.dma_semaphore, #tpu.memory_space<semaphore_mem>>
      %dma_start3A_139 = tpu.memref_squeeze %dma_start3A_138 : memref<1x!tpu.dma_semaphore, #tpu.memory_space<semaphore_mem>> -> memref<!tpu.dma_semaphore, #tpu.memory_space<semaphore_mem>>
      tpu.enqueue_indirect_dma source(%dma_start3A_137 : memref<10000x64xf32, #tpu.memory_space<hbm>>) target(%dma_start3A_131 : memref<80x64xf32, #tpu.memory_space<vmem>>) offsets(%dma_start3A_134 : memref<80xi32, #tpu.memory_space<vmem>>) semaphore(%dma_start3A_139 : memref<!tpu.dma_semaphore, #tpu.memory_space<semaphore_mem>>)
    } else {
    }
    %add3A_80 = arith.constant 64 : i32
    %add3A_81 = arith.addi %add3A, %add3A_80 : i32
    %lt3A_82 = arith.constant 2000 : i32
    %lt3A_83 = arith.cmpi slt, %add3A_81, %lt3A_82 : i32
    %and3A_84 = arith.constant true
    %and3A_85 = arith.andi %and3A_84, %lt3A_83 : i1
    %convert_element_type3A_86 = arith.extui %and3A_85 : i1 to i32
    %cond3A_87 = arith.constant 0 : i32
    %cond3A_88 = arith.cmpi ne, %convert_element_type3A_86, %cond3A_87 : i32
    scf.if %cond3A_88 {
      %rem3A = arith.constant 2 : i32
      %rem3A_111 = arith.constant 9 : i32
      %rem3A_112 = arith.remsi %rem3A, %rem3A_111 : i32
      %dma_wait3A = arith.constant 0 : i32
      %dma_wait3A_113 = arith.constant 0 : i32
      %dma_wait3A_114 = tpu.memref_slice %arg5[%rem3A_112, %dma_wait3A, %dma_wait3A_113] : memref<9x2x80xi32, #tpu.memory_space<vmem>> -> memref<1x2x80xi32, #tpu.memory_space<vmem>>
      %dma_wait3A_115 = tpu.memref_squeeze %dma_wait3A_114 : memref<1x2x80xi32, #tpu.memory_space<vmem>> -> memref<2x80xi32, #tpu.memory_space<vmem>>
      %dma_wait3A_116 = arith.constant 0 : i32
      %dma_wait3A_117 = arith.constant 0 : i32
      %dma_wait3A_118 = tpu.memref_slice %arg3[%dma_wait3A_116, %dma_wait3A_117] : memref<2x160000xi32, #tpu.memory_space<hbm>> -> memref<2x80xi32, #tpu.memory_space<hbm>>
      %dma_wait3A_119 = tpu.memref_slice %arg9[%rem3A_112] : memref<9x!tpu.dma_semaphore, #tpu.memory_space<semaphore_mem>> -> memref<1x!tpu.dma_semaphore, #tpu.memory_space<semaphore_mem>>
      %dma_wait3A_120 = tpu.memref_squeeze %dma_wait3A_119 : memref<1x!tpu.dma_semaphore, #tpu.memory_space<semaphore_mem>> -> memref<!tpu.dma_semaphore, #tpu.memory_space<semaphore_mem>>
      %dma_wait3A_121 = arith.constant 0 : i32
      %dma_wait3A_122 = arith.constant 0 : i32
      %dma_wait3A_123 = tpu.memref_slice %arg5[%rem3A_112, %dma_wait3A_121, %dma_wait3A_122] : memref<9x2x80xi32, #tpu.memory_space<vmem>> -> memref<1x2x80xi32, #tpu.memory_space<vmem>>
      %dma_wait3A_124 = tpu.memref_squeeze %dma_wait3A_123 : memref<1x2x80xi32, #tpu.memory_space<vmem>> -> memref<2x80xi32, #tpu.memory_space<vmem>>
      %dma_wait3A_125 = arith.constant 0 : i32
      %dma_wait3A_126 = arith.constant 0 : i32
      %dma_wait3A_127 = tpu.memref_slice %arg3[%dma_wait3A_125, %dma_wait3A_126] : memref<2x160000xi32, #tpu.memory_space<hbm>> -> memref<2x80xi32, #tpu.memory_space<hbm>>
      tpu.wait_dma2 semaphore(%dma_wait3A_120 : memref<!tpu.dma_semaphore, #tpu.memory_space<semaphore_mem>>) src(%dma_wait3A_127 : memref<2x80xi32, #tpu.memory_space<hbm>>) dst(%dma_wait3A_124 : memref<2x80xi32, #tpu.memory_space<vmem>>)
      %dma_start3A = arith.constant 0 : i32
      %dma_start3A_128 = arith.constant 0 : i32
      %dma_start3A_129 = arith.constant 0 : i32
      %dma_start3A_130 = tpu.memref_slice %arg6[%rem3A_112, %dma_start3A_128, %dma_start3A_129] : memref<9x80x64xf32, #tpu.memory_space<vmem>> -> memref<1x80x64xf32, #tpu.memory_space<vmem>>
      %dma_start3A_131 = tpu.memref_squeeze %dma_start3A_130 : memref<1x80x64xf32, #tpu.memory_space<vmem>> -> memref<80x64xf32, #tpu.memory_space<vmem>>
      %dma_start3A_132 = arith.constant 0 : i32
      %dma_start3A_133 = tpu.memref_slice %arg5[%rem3A_112, %dma_start3A, %dma_start3A_132] : memref<9x2x80xi32, #tpu.memory_space<vmem>> -> memref<1x1x80xi32, #tpu.memory_space<vmem>>
      %dma_start3A_134 = tpu.memref_squeeze %dma_start3A_133 : memref<1x1x80xi32, #tpu.memory_space<vmem>> -> memref<80xi32, #tpu.memory_space<vmem>>
      %dma_start3A_135 = arith.constant 0 : i32
      %dma_start3A_136 = arith.constant 0 : i32
      %dma_start3A_137 = tpu.memref_slice %arg2[%dma_start3A_135, %dma_start3A_136] : memref<10000x64xf32, #tpu.memory_space<hbm>> -> memref<10000x64xf32, #tpu.memory_space<hbm>>
      %dma_start3A_138 = tpu.memref_slice %arg10[%rem3A_112] : memref<9x!tpu.dma_semaphore, #tpu.memory_space<semaphore_mem>> -> memref<1x!tpu.dma_semaphore, #tpu.memory_space<semaphore_mem>>
      %dma_start3A_139 = tpu.memref_squeeze %dma_start3A_138 : memref<1x!tpu.dma_semaphore, #tpu.memory_space<semaphore_mem>> -> memref<!tpu.dma_semaphore, #tpu.memory_space<semaphore_mem>>
      tpu.enqueue_indirect_dma source(%dma_start3A_137 : memref<10000x64xf32, #tpu.memory_space<hbm>>) target(%dma_start3A_131 : memref<80x64xf32, #tpu.memory_space<vmem>>) offsets(%dma_start3A_134 : memref<80xi32, #tpu.memory_space<vmem>>) semaphore(%dma_start3A_139 : memref<!tpu.dma_semaphore, #tpu.memory_space<semaphore_mem>>)
    } else {
    }
    %add3A_89 = arith.constant 96 : i32
    %add3A_90 = arith.addi %add3A, %add3A_89 : i32
    %lt3A_91 = arith.constant 2000 : i32
    %lt3A_92 = arith.cmpi slt, %add3A_90, %lt3A_91 : i32
    %and3A_93 = arith.constant true
    %and3A_94 = arith.andi %and3A_93, %lt3A_92 : i1
    %convert_element_type3A_95 = arith.extui %and3A_94 : i1 to i32
    %cond3A_96 = arith.constant 0 : i32
    %cond3A_97 = arith.cmpi ne, %convert_element_type3A_95, %cond3A_96 : i32
    scf.if %cond3A_97 {
      %rem3A = arith.constant 3 : i32
      %rem3A_111 = arith.constant 9 : i32
      %rem3A_112 = arith.remsi %rem3A, %rem3A_111 : i32
      %dma_wait3A = arith.constant 0 : i32
      %dma_wait3A_113 = arith.constant 0 : i32
      %dma_wait3A_114 = tpu.memref_slice %arg5[%rem3A_112, %dma_wait3A, %dma_wait3A_113] : memref<9x2x80xi32, #tpu.memory_space<vmem>> -> memref<1x2x80xi32, #tpu.memory_space<vmem>>
      %dma_wait3A_115 = tpu.memref_squeeze %dma_wait3A_114 : memref<1x2x80xi32, #tpu.memory_space<vmem>> -> memref<2x80xi32, #tpu.memory_space<vmem>>
      %dma_wait3A_116 = arith.constant 0 : i32
      %dma_wait3A_117 = arith.constant 0 : i32
      %dma_wait3A_118 = tpu.memref_slice %arg3[%dma_wait3A_116, %dma_wait3A_117] : memref<2x160000xi32, #tpu.memory_space<hbm>> -> memref<2x80xi32, #tpu.memory_space<hbm>>
      %dma_wait3A_119 = tpu.memref_slice %arg9[%rem3A_112] : memref<9x!tpu.dma_semaphore, #tpu.memory_space<semaphore_mem>> -> memref<1x!tpu.dma_semaphore, #tpu.memory_space<semaphore_mem>>
      %dma_wait3A_120 = tpu.memref_squeeze %dma_wait3A_119 : memref<1x!tpu.dma_semaphore, #tpu.memory_space<semaphore_mem>> -> memref<!tpu.dma_semaphore, #tpu.memory_space<semaphore_mem>>
      %dma_wait3A_121 = arith.constant 0 : i32
      %dma_wait3A_122 = arith.constant 0 : i32
      %dma_wait3A_123 = tpu.memref_slice %arg5[%rem3A_112, %dma_wait3A_121, %dma_wait3A_122] : memref<9x2x80xi32, #tpu.memory_space<vmem>> -> memref<1x2x80xi32, #tpu.memory_space<vmem>>
      %dma_wait3A_124 = tpu.memref_squeeze %dma_wait3A_123 : memref<1x2x80xi32, #tpu.memory_space<vmem>> -> memref<2x80xi32, #tpu.memory_space<vmem>>
      %dma_wait3A_125 = arith.constant 0 : i32
      %dma_wait3A_126 = arith.constant 0 : i32
      %dma_wait3A_127 = tpu.memref_slice %arg3[%dma_wait3A_125, %dma_wait3A_126] : memref<2x160000xi32, #tpu.memory_space<hbm>> -> memref<2x80xi32, #tpu.memory_space<hbm>>
      tpu.wait_dma2 semaphore(%dma_wait3A_120 : memref<!tpu.dma_semaphore, #tpu.memory_space<semaphore_mem>>) src(%dma_wait3A_127 : memref<2x80xi32, #tpu.memory_space<hbm>>) dst(%dma_wait3A_124 : memref<2x80xi32, #tpu.memory_space<vmem>>)
      %dma_start3A = arith.constant 0 : i32
      %dma_start3A_128 = arith.constant 0 : i32
      %dma_start3A_129 = arith.constant 0 : i32
      %dma_start3A_130 = tpu.memref_slice %arg6[%rem3A_112, %dma_start3A_128, %dma_start3A_129] : memref<9x80x64xf32, #tpu.memory_space<vmem>> -> memref<1x80x64xf32, #tpu.memory_space<vmem>>
      %dma_start3A_131 = tpu.memref_squeeze %dma_start3A_130 : memref<1x80x64xf32, #tpu.memory_space<vmem>> -> memref<80x64xf32, #tpu.memory_space<vmem>>
      %dma_start3A_132 = arith.constant 0 : i32
      %dma_start3A_133 = tpu.memref_slice %arg5[%rem3A_112, %dma_start3A, %dma_start3A_132] : memref<9x2x80xi32, #tpu.memory_space<vmem>> -> memref<1x1x80xi32, #tpu.memory_space<vmem>>
      %dma_start3A_134 = tpu.memref_squeeze %dma_start3A_133 : memref<1x1x80xi32, #tpu.memory_space<vmem>> -> memref<80xi32, #tpu.memory_space<vmem>>
      %dma_start3A_135 = arith.constant 0 : i32
      %dma_start3A_136 = arith.constant 0 : i32
      %dma_start3A_137 = tpu.memref_slice %arg2[%dma_start3A_135, %dma_start3A_136] : memref<10000x64xf32, #tpu.memory_space<hbm>> -> memref<10000x64xf32, #tpu.memory_space<hbm>>
      %dma_start3A_138 = tpu.memref_slice %arg10[%rem3A_112] : memref<9x!tpu.dma_semaphore, #tpu.memory_space<semaphore_mem>> -> memref<1x!tpu.dma_semaphore, #tpu.memory_space<semaphore_mem>>
      %dma_start3A_139 = tpu.memref_squeeze %dma_start3A_138 : memref<1x!tpu.dma_semaphore, #tpu.memory_space<semaphore_mem>> -> memref<!tpu.dma_semaphore, #tpu.memory_space<semaphore_mem>>
      tpu.enqueue_indirect_dma source(%dma_start3A_137 : memref<10000x64xf32, #tpu.memory_space<hbm>>) target(%dma_start3A_131 : memref<80x64xf32, #tpu.memory_space<vmem>>) offsets(%dma_start3A_134 : memref<80xi32, #tpu.memory_space<vmem>>) semaphore(%dma_start3A_139 : memref<!tpu.dma_semaphore, #tpu.memory_space<semaphore_mem>>)
    } else {
    }
    %scan3A_98 = arith.constant 0 : i32
    %scan3A_99 = arith.constant 0 : i32
    %scan3A_100 = arith.constant 66 : i32
    %scan3A_101 = arith.addi %scan3A_99, %scan3A_100 : i32
    %scan3A_102 = arith.constant 1 : i32
    scf.for %scan3A_111 = %scan3A_99 to %scan3A_101 step %scan3A_102  : i32 {
      %rem3A = arith.constant 9 : i32
      %rem3A_112 = arith.remsi %scan3A_111, %rem3A : i32
      %add3A_113 = arith.constant 6 : i32
      %add3A_114 = arith.addi %scan3A_111, %add3A_113 : i32
      %rem3A_115 = arith.constant 9 : i32
      %rem3A_116 = arith.remsi %add3A_114, %rem3A_115 : i32
      %sub3A = arith.constant 3 : i32
      %sub3A_117 = arith.subi %scan3A_111, %sub3A : i32
      %ge3A = arith.constant 0 : i32
      %ge3A_118 = arith.cmpi sge, %sub3A_117, %ge3A : i32
      %mul3A_119 = arith.constant 32 : i32
      %mul3A_120 = arith.muli %sub3A_117, %mul3A_119 : i32
      %add3A_121 = arith.addi %add3A, %mul3A_120 : i32
      %lt3A_122 = arith.constant 2000 : i32
      %lt3A_123 = arith.cmpi slt, %add3A_121, %lt3A_122 : i32
      %and3A_124 = arith.andi %ge3A_118, %lt3A_123 : i1
      %convert_element_type3A_125 = arith.extui %and3A_124 : i1 to i32
      %cond3A_126 = arith.constant 0 : i32
      %cond3A_127 = arith.cmpi ne, %convert_element_type3A_125, %cond3A_126 : i32
      scf.if %cond3A_127 {
        %dma_wait3A = arith.constant 1 : i32
        %dma_wait3A_165 = arith.constant 0 : i32
        %dma_wait3A_166 = arith.constant 0 : i32
        %dma_wait3A_167 = tpu.memref_slice %arg6[%rem3A_116, %dma_wait3A_165, %dma_wait3A_166] : memref<9x80x64xf32, #tpu.memory_space<vmem>> -> memref<1x80x64xf32, #tpu.memory_space<vmem>>
        %dma_wait3A_168 = tpu.memref_squeeze %dma_wait3A_167 : memref<1x80x64xf32, #tpu.memory_space<vmem>> -> memref<80x64xf32, #tpu.memory_space<vmem>>
        %dma_wait3A_169 = arith.constant 0 : i32
        %dma_wait3A_170 = tpu.memref_slice %arg5[%rem3A_116, %dma_wait3A, %dma_wait3A_169] : memref<9x2x80xi32, #tpu.memory_space<vmem>> -> memref<1x1x80xi32, #tpu.memory_space<vmem>>
        %dma_wait3A_171 = tpu.memref_squeeze %dma_wait3A_170 : memref<1x1x80xi32, #tpu.memory_space<vmem>> -> memref<80xi32, #tpu.memory_space<vmem>>
        %dma_wait3A_172 = arith.constant 0 : i32
        %dma_wait3A_173 = arith.constant 0 : i32
        %dma_wait3A_174 = tpu.memref_slice %arg8[%dma_wait3A_172, %dma_wait3A_173] : memref<10000x64xf32, #tpu.memory_space<vmem_shared>> -> memref<10000x64xf32, #tpu.memory_space<vmem_shared>>
        %dma_wait3A_175 = tpu.memref_slice %arg11[%rem3A_116] : memref<9x!tpu.dma_semaphore, #tpu.memory_space<semaphore_mem>> -> memref<1x!tpu.dma_semaphore, #tpu.memory_space<semaphore_mem>>
        %dma_wait3A_176 = tpu.memref_squeeze %dma_wait3A_175 : memref<1x!tpu.dma_semaphore, #tpu.memory_space<semaphore_mem>> -> memref<!tpu.dma_semaphore, #tpu.memory_space<semaphore_mem>>
        tpu.wait_indirect_dma semaphore(%dma_wait3A_176 : memref<!tpu.dma_semaphore, #tpu.memory_space<semaphore_mem>>) src(%dma_wait3A_168 : memref<80x64xf32, #tpu.memory_space<vmem>>) dst(%dma_wait3A_174 : memref<10000x64xf32, #tpu.memory_space<vmem_shared>>)
      } else {
      }
      %add3A_128 = arith.constant 6 : i32
      %add3A_129 = arith.addi %scan3A_111, %add3A_128 : i32
      %ge3A_130 = arith.constant 0 : i32
      %ge3A_131 = arith.cmpi sge, %add3A_129, %ge3A_130 : i32
      %mul3A_132 = arith.constant 32 : i32
      %mul3A_133 = arith.muli %add3A_129, %mul3A_132 : i32
      %add3A_134 = arith.addi %add3A, %mul3A_133 : i32
      %lt3A_135 = arith.constant 2000 : i32
      %lt3A_136 = arith.cmpi slt, %add3A_134, %lt3A_135 : i32
      %and3A_137 = arith.andi %ge3A_131, %lt3A_136 : i1
      %convert_element_type3A_138 = arith.extui %and3A_137 : i1 to i32
      %cond3A_139 = arith.constant 0 : i32
      %cond3A_140 = arith.cmpi ne, %convert_element_type3A_138, %cond3A_139 : i32
      scf.if %cond3A_140 {
        %add3A_165 = arith.constant 6 : i32
        %add3A_166 = arith.addi %scan3A_111, %add3A_165 : i32
        %rem3A_167 = arith.constant 9 : i32
        %rem3A_168 = arith.remsi %add3A_166, %rem3A_167 : i32
        %mul3A_169 = arith.constant 32 : i32
        %mul3A_170 = arith.muli %add3A_166, %mul3A_169 : i32
        %add3A_171 = arith.addi %add3A, %mul3A_170 : i32
        %mul3A_172 = arith.constant 80 : i32
        %mul3A_173 = arith.muli %add3A_171, %mul3A_172 : i32
        %dma_start3A = arith.constant 0 : i32
        %dma_start3A_174 = arith.constant 0 : i32
        %dma_start3A_175 = tpu.memref_slice %arg5[%rem3A_168, %dma_start3A, %dma_start3A_174] : memref<9x2x80xi32, #tpu.memory_space<vmem>> -> memref<1x2x80xi32, #tpu.memory_space<vmem>>
        %dma_start3A_176 = tpu.memref_squeeze %dma_start3A_175 : memref<1x2x80xi32, #tpu.memory_space<vmem>> -> memref<2x80xi32, #tpu.memory_space<vmem>>
        %dma_start3A_177 = arith.constant 0 : i32
        %dma_start3A_178 = tpu.memref_slice %arg3[%dma_start3A_177, %mul3A_173] : memref<2x160000xi32, #tpu.memory_space<hbm>> -> memref<2x80xi32, #tpu.memory_space<hbm>>
        %dma_start3A_179 = tpu.memref_slice %arg9[%rem3A_168] : memref<9x!tpu.dma_semaphore, #tpu.memory_space<semaphore_mem>> -> memref<1x!tpu.dma_semaphore, #tpu.memory_space<semaphore_mem>>
        %dma_start3A_180 = tpu.memref_squeeze %dma_start3A_179 : memref<1x!tpu.dma_semaphore, #tpu.memory_space<semaphore_mem>> -> memref<!tpu.dma_semaphore, #tpu.memory_space<semaphore_mem>>
        %dma_start3A_181 = arith.constant 0 : i32
        %dma_start3A_182 = arith.constant 0 : i32
        %dma_start3A_183 = tpu.memref_slice %arg5[%rem3A_168, %dma_start3A_181, %dma_start3A_182] : memref<9x2x80xi32, #tpu.memory_space<vmem>> -> memref<1x2x80xi32, #tpu.memory_space<vmem>>
        %dma_start3A_184 = tpu.memref_squeeze %dma_start3A_183 : memref<1x2x80xi32, #tpu.memory_space<vmem>> -> memref<2x80xi32, #tpu.memory_space<vmem>>
        %dma_start3A_185 = arith.constant 0 : i32
        %dma_start3A_186 = tpu.memref_slice %arg3[%dma_start3A_185, %mul3A_173] : memref<2x160000xi32, #tpu.memory_space<hbm>> -> memref<2x80xi32, #tpu.memory_space<hbm>>
        tpu.enqueue_dma source(%dma_start3A_186 : memref<2x80xi32, #tpu.memory_space<hbm>>) target(%dma_start3A_184 : memref<2x80xi32, #tpu.memory_space<vmem>>) target_semaphore(%dma_start3A_180 : memref<!tpu.dma_semaphore, #tpu.memory_space<semaphore_mem>>)
      } else {
      }
      %add3A_141 = arith.constant 4 : i32
      %add3A_142 = arith.addi %scan3A_111, %add3A_141 : i32
      %ge3A_143 = arith.constant 0 : i32
      %ge3A_144 = arith.cmpi sge, %add3A_142, %ge3A_143 : i32
      %mul3A_145 = arith.constant 32 : i32
      %mul3A_146 = arith.muli %add3A_142, %mul3A_145 : i32
      %add3A_147 = arith.addi %add3A, %mul3A_146 : i32
      %lt3A_148 = arith.constant 2000 : i32
      %lt3A_149 = arith.cmpi slt, %add3A_147, %lt3A_148 : i32
      %and3A_150 = arith.andi %ge3A_144, %lt3A_149 : i1
      %convert_element_type3A_151 = arith.extui %and3A_150 : i1 to i32
      %cond3A_152 = arith.constant 0 : i32
      %cond3A_153 = arith.cmpi ne, %convert_element_type3A_151, %cond3A_152 : i32
      scf.if %cond3A_153 {
        %add3A_165 = arith.constant 4 : i32
        %add3A_166 = arith.addi %scan3A_111, %add3A_165 : i32
        %rem3A_167 = arith.constant 9 : i32
        %rem3A_168 = arith.remsi %add3A_166, %rem3A_167 : i32
        %dma_wait3A = arith.constant 0 : i32
        %dma_wait3A_169 = arith.constant 0 : i32
        %dma_wait3A_170 = tpu.memref_slice %arg5[%rem3A_168, %dma_wait3A, %dma_wait3A_169] : memref<9x2x80xi32, #tpu.memory_space<vmem>> -> memref<1x2x80xi32, #tpu.memory_space<vmem>>
        %dma_wait3A_171 = tpu.memref_squeeze %dma_wait3A_170 : memref<1x2x80xi32, #tpu.memory_space<vmem>> -> memref<2x80xi32, #tpu.memory_space<vmem>>
        %dma_wait3A_172 = arith.constant 0 : i32
        %dma_wait3A_173 = arith.constant 0 : i32
        %dma_wait3A_174 = tpu.memref_slice %arg3[%dma_wait3A_172, %dma_wait3A_173] : memref<2x160000xi32, #tpu.memory_space<hbm>> -> memref<2x80xi32, #tpu.memory_space<hbm>>
        %dma_wait3A_175 = tpu.memref_slice %arg9[%rem3A_168] : memref<9x!tpu.dma_semaphore, #tpu.memory_space<semaphore_mem>> -> memref<1x!tpu.dma_semaphore, #tpu.memory_space<semaphore_mem>>
        %dma_wait3A_176 = tpu.memref_squeeze %dma_wait3A_175 : memref<1x!tpu.dma_semaphore, #tpu.memory_space<semaphore_mem>> -> memref<!tpu.dma_semaphore, #tpu.memory_space<semaphore_mem>>
        %dma_wait3A_177 = arith.constant 0 : i32
        %dma_wait3A_178 = arith.constant 0 : i32
        %dma_wait3A_179 = tpu.memref_slice %arg5[%rem3A_168, %dma_wait3A_177, %dma_wait3A_178] : memref<9x2x80xi32, #tpu.memory_space<vmem>> -> memref<1x2x80xi32, #tpu.memory_space<vmem>>
        %dma_wait3A_180 = tpu.memref_squeeze %dma_wait3A_179 : memref<1x2x80xi32, #tpu.memory_space<vmem>> -> memref<2x80xi32, #tpu.memory_space<vmem>>
        %dma_wait3A_181 = arith.constant 0 : i32
        %dma_wait3A_182 = arith.constant 0 : i32
        %dma_wait3A_183 = tpu.memref_slice %arg3[%dma_wait3A_181, %dma_wait3A_182] : memref<2x160000xi32, #tpu.memory_space<hbm>> -> memref<2x80xi32, #tpu.memory_space<hbm>>
        tpu.wait_dma2 semaphore(%dma_wait3A_176 : memref<!tpu.dma_semaphore, #tpu.memory_space<semaphore_mem>>) src(%dma_wait3A_183 : memref<2x80xi32, #tpu.memory_space<hbm>>) dst(%dma_wait3A_180 : memref<2x80xi32, #tpu.memory_space<vmem>>)
        %dma_start3A = arith.constant 0 : i32
        %dma_start3A_184 = arith.constant 0 : i32
        %dma_start3A_185 = arith.constant 0 : i32
        %dma_start3A_186 = tpu.memref_slice %arg6[%rem3A_168, %dma_start3A_184, %dma_start3A_185] : memref<9x80x64xf32, #tpu.memory_space<vmem>> -> memref<1x80x64xf32, #tpu.memory_space<vmem>>
        %dma_start3A_187 = tpu.memref_squeeze %dma_start3A_186 : memref<1x80x64xf32, #tpu.memory_space<vmem>> -> memref<80x64xf32, #tpu.memory_space<vmem>>
        %dma_start3A_188 = arith.constant 0 : i32
        %dma_start3A_189 = tpu.memref_slice %arg5[%rem3A_168, %dma_start3A, %dma_start3A_188] : memref<9x2x80xi32, #tpu.memory_space<vmem>> -> memref<1x1x80xi32, #tpu.memory_space<vmem>>
        %dma_start3A_190 = tpu.memref_squeeze %dma_start3A_189 : memref<1x1x80xi32, #tpu.memory_space<vmem>> -> memref<80xi32, #tpu.memory_space<vmem>>
        %dma_start3A_191 = arith.constant 0 : i32
        %dma_start3A_192 = arith.constant 0 : i32
        %dma_start3A_193 = tpu.memref_slice %arg2[%dma_start3A_191, %dma_start3A_192] : memref<10000x64xf32, #tpu.memory_space<hbm>> -> memref<10000x64xf32, #tpu.memory_space<hbm>>
        %dma_start3A_194 = tpu.memref_slice %arg10[%rem3A_168] : memref<9x!tpu.dma_semaphore, #tpu.memory_space<semaphore_mem>> -> memref<1x!tpu.dma_semaphore, #tpu.memory_space<semaphore_mem>>
        %dma_start3A_195 = tpu.memref_squeeze %dma_start3A_194 : memref<1x!tpu.dma_semaphore, #tpu.memory_space<semaphore_mem>> -> memref<!tpu.dma_semaphore, #tpu.memory_space<semaphore_mem>>
        tpu.enqueue_indirect_dma source(%dma_start3A_193 : memref<10000x64xf32, #tpu.memory_space<hbm>>) target(%dma_start3A_187 : memref<80x64xf32, #tpu.memory_space<vmem>>) offsets(%dma_start3A_190 : memref<80xi32, #tpu.memory_space<vmem>>) semaphore(%dma_start3A_195 : memref<!tpu.dma_semaphore, #tpu.memory_space<semaphore_mem>>)
      } else {
      }
      %ge3A_154 = arith.constant 0 : i32
      %ge3A_155 = arith.cmpi sge, %scan3A_111, %ge3A_154 : i32
      %mul3A_156 = arith.constant 32 : i32
      %mul3A_157 = arith.muli %scan3A_111, %mul3A_156 : i32
      %add3A_158 = arith.addi %add3A, %mul3A_157 : i32
      %lt3A_159 = arith.constant 2000 : i32
      %lt3A_160 = arith.cmpi slt, %add3A_158, %lt3A_159 : i32
      %and3A_161 = arith.andi %ge3A_155, %lt3A_160 : i1
      %convert_element_type3A_162 = arith.extui %and3A_161 : i1 to i32
      %cond3A_163 = arith.constant 0 : i32
      %cond3A_164 = arith.cmpi ne, %convert_element_type3A_162, %cond3A_163 : i32
      scf.if %cond3A_164 {
        %dma_wait3A = arith.constant 0 : i32
        %dma_wait3A_165 = arith.constant 0 : i32
        %dma_wait3A_166 = arith.constant 0 : i32
        %dma_wait3A_167 = tpu.memref_slice %arg6[%rem3A_112, %dma_wait3A_165, %dma_wait3A_166] : memref<9x80x64xf32, #tpu.memory_space<vmem>> -> memref<1x80x64xf32, #tpu.memory_space<vmem>>
        %dma_wait3A_168 = tpu.memref_squeeze %dma_wait3A_167 : memref<1x80x64xf32, #tpu.memory_space<vmem>> -> memref<80x64xf32, #tpu.memory_space<vmem>>
        %dma_wait3A_169 = arith.constant 0 : i32
        %dma_wait3A_170 = tpu.memref_slice %arg5[%rem3A_112, %dma_wait3A, %dma_wait3A_169] : memref<9x2x80xi32, #tpu.memory_space<vmem>> -> memref<1x1x80xi32, #tpu.memory_space<vmem>>
        %dma_wait3A_171 = tpu.memref_squeeze %dma_wait3A_170 : memref<1x1x80xi32, #tpu.memory_space<vmem>> -> memref<80xi32, #tpu.memory_space<vmem>>
        %dma_wait3A_172 = arith.constant 0 : i32
        %dma_wait3A_173 = arith.constant 0 : i32
        %dma_wait3A_174 = tpu.memref_slice %arg2[%dma_wait3A_172, %dma_wait3A_173] : memref<10000x64xf32, #tpu.memory_space<hbm>> -> memref<10000x64xf32, #tpu.memory_space<hbm>>
        %dma_wait3A_175 = tpu.memref_slice %arg10[%rem3A_112] : memref<9x!tpu.dma_semaphore, #tpu.memory_space<semaphore_mem>> -> memref<1x!tpu.dma_semaphore, #tpu.memory_space<semaphore_mem>>
        %dma_wait3A_176 = tpu.memref_squeeze %dma_wait3A_175 : memref<1x!tpu.dma_semaphore, #tpu.memory_space<semaphore_mem>> -> memref<!tpu.dma_semaphore, #tpu.memory_space<semaphore_mem>>
        tpu.wait_indirect_dma semaphore(%dma_wait3A_176 : memref<!tpu.dma_semaphore, #tpu.memory_space<semaphore_mem>>) src(%dma_wait3A_174 : memref<10000x64xf32, #tpu.memory_space<hbm>>) dst(%dma_wait3A_168 : memref<80x64xf32, #tpu.memory_space<vmem>>)
        %dma_start3A = arith.constant 1 : i32
        %dma_start3A_177 = arith.constant 0 : i32
        %dma_start3A_178 = arith.constant 0 : i32
        %dma_start3A_179 = tpu.memref_slice %arg6[%rem3A_112, %dma_start3A_177, %dma_start3A_178] : memref<9x80x64xf32, #tpu.memory_space<vmem>> -> memref<1x80x64xf32, #tpu.memory_space<vmem>>
        %dma_start3A_180 = tpu.memref_squeeze %dma_start3A_179 : memref<1x80x64xf32, #tpu.memory_space<vmem>> -> memref<80x64xf32, #tpu.memory_space<vmem>>
        %dma_start3A_181 = arith.constant 0 : i32
        %dma_start3A_182 = tpu.memref_slice %arg5[%rem3A_112, %dma_start3A, %dma_start3A_181] : memref<9x2x80xi32, #tpu.memory_space<vmem>> -> memref<1x1x80xi32, #tpu.memory_space<vmem>>
        %dma_start3A_183 = tpu.memref_squeeze %dma_start3A_182 : memref<1x1x80xi32, #tpu.memory_space<vmem>> -> memref<80xi32, #tpu.memory_space<vmem>>
        %dma_start3A_184 = arith.constant 0 : i32
        %dma_start3A_185 = arith.constant 0 : i32
        %dma_start3A_186 = tpu.memref_slice %arg8[%dma_start3A_184, %dma_start3A_185] : memref<10000x64xf32, #tpu.memory_space<vmem_shared>> -> memref<10000x64xf32, #tpu.memory_space<vmem_shared>>
        %dma_start3A_187 = tpu.memref_slice %arg11[%rem3A_112] : memref<9x!tpu.dma_semaphore, #tpu.memory_space<semaphore_mem>> -> memref<1x!tpu.dma_semaphore, #tpu.memory_space<semaphore_mem>>
        %dma_start3A_188 = tpu.memref_squeeze %dma_start3A_187 : memref<1x!tpu.dma_semaphore, #tpu.memory_space<semaphore_mem>> -> memref<!tpu.dma_semaphore, #tpu.memory_space<semaphore_mem>>
        tpu.enqueue_indirect_dma source(%dma_start3A_180 : memref<80x64xf32, #tpu.memory_space<vmem>>) target(%dma_start3A_186 : memref<10000x64xf32, #tpu.memory_space<vmem_shared>>) offsets(%dma_start3A_183 : memref<80xi32, #tpu.memory_space<vmem>>) semaphore(%dma_start3A_188 : memref<!tpu.dma_semaphore, #tpu.memory_space<semaphore_mem>>) {add = true}
      } else {
      }
    }
    %scan3A_103 = arith.constant 66 : i32
    %barrier3A_104 = arith.constant 0 : index
    tpu.barrier barrier_id(%barrier3A_104)
    %scan3A_105 = arith.constant 0 : i32
    %scan3A_106 = arith.constant 0 : i32
    %scan3A_107 = arith.constant 4 : i32
    %scan3A_108 = arith.addi %scan3A_106, %scan3A_107 : i32
    %scan3A_109 = arith.constant 1 : i32
    scf.for %scan3A_111 = %scan3A_106 to %scan3A_108 step %scan3A_109  : i32 {
      %mul3A_112 = arith.constant 16 : i32
      %mul3A_113 = arith.muli %scan3A_111, %mul3A_112 : i32
      %add3A_114 = arith.addi %arg1, %mul3A_113 : i32
      %lt3A_115 = arith.constant 50 : i32
      %lt3A_116 = arith.cmpi slt, %add3A_114, %lt3A_115 : i32
      %convert_element_type3A_117 = arith.extui %lt3A_116 : i1 to i32
      %cond3A_118 = arith.constant 0 : i32
      %cond3A_119 = arith.cmpi ne, %convert_element_type3A_117, %cond3A_118 : i32
      scf.if %cond3A_119 {
        %mul3A_120 = arith.constant 200 : i32
        %mul3A_121 = arith.muli %add3A_114, %mul3A_120 : i32
        "tpu.region"() ({
          %run_scoped3A = tpu.sem_alloc : memref<!tpu.dma_semaphore, #tpu.memory_space<semaphore_mem>>
          %dma_start3A = arith.constant 0 : i32
          %dma_start3A_122 = tpu.memref_slice %arg4[%arg0, %mul3A_121, %dma_start3A] : memref<2x10000x64xf32, #tpu.memory_space<hbm>> -> memref<1x200x64xf32, #tpu.memory_space<hbm>>
          %dma_start3A_123 = tpu.memref_squeeze %dma_start3A_122 : memref<1x200x64xf32, #tpu.memory_space<hbm>> -> memref<200x64xf32, #tpu.memory_space<hbm>>
          %dma_start3A_124 = arith.constant 0 : i32
          %dma_start3A_125 = tpu.memref_slice %arg8[%mul3A_121, %dma_start3A_124] : memref<10000x64xf32, #tpu.memory_space<vmem_shared>> -> memref<200x64xf32, #tpu.memory_space<vmem_shared>>
          tpu.enqueue_dma source(%dma_start3A_125 : memref<200x64xf32, #tpu.memory_space<vmem_shared>>) target(%dma_start3A_123 : memref<200x64xf32, #tpu.memory_space<hbm>>) target_semaphore(%run_scoped3A : memref<!tpu.dma_semaphore, #tpu.memory_space<semaphore_mem>>)
          %dma_wait3A = arith.constant 0 : i32
          %dma_wait3A_126 = tpu.memref_slice %arg4[%arg0, %mul3A_121, %dma_wait3A] : memref<2x10000x64xf32, #tpu.memory_space<hbm>> -> memref<1x200x64xf32, #tpu.memory_space<hbm>>
          %dma_wait3A_127 = tpu.memref_squeeze %dma_wait3A_126 : memref<1x200x64xf32, #tpu.memory_space<hbm>> -> memref<200x64xf32, #tpu.memory_space<hbm>>
          %dma_wait3A_128 = arith.constant 0 : i32
          %dma_wait3A_129 = tpu.memref_slice %arg8[%mul3A_121, %dma_wait3A_128] : memref<10000x64xf32, #tpu.memory_space<vmem_shared>> -> memref<200x64xf32, #tpu.memory_space<vmem_shared>>
          tpu.wait_dma2 semaphore(%run_scoped3A : memref<!tpu.dma_semaphore, #tpu.memory_space<semaphore_mem>>) src(%dma_wait3A_129 : memref<200x64xf32, #tpu.memory_space<vmem_shared>>) dst(%dma_wait3A_127 : memref<200x64xf32, #tpu.memory_space<hbm>>)
          tpu.yield
        }) : () -> ()
      } else {
      }
    }
    %scan3A_110 = arith.constant 4 : i32
    return
  }
}

module attributes {stable_mosaic.version = 14 : i64} {
  func.func @body(%arg0: i32, %arg1: memref<2000x256xf32, #tpu.memory_space<vmem>>, %arg2: memref<256x64xf32, #tpu.memory_space<vmem>>, %arg3: memref<2000x64xf32, #tpu.memory_space<vmem>>) attributes {dimension_semantics = [#tpu.dimension_semantics<arbitrary>], iteration_bounds = array<i64: 5>, scalar_prefetch = 0 : i64, scratch_operands = 0 : i64, tpu.core_type = #tpu.core_type<tc>, window_params = [{transform_indices = @transform_0, window_bounds = array<i64: 2000, 256>}, {pipeline_mode = #tpu.pipeline_mode<synchronous>, transform_indices = @transform_1, window_bounds = array<i64: 256, 64>}, {transform_indices = @transform_2, window_bounds = array<i64: 2000, 64>}]} {
    %get3A = arith.constant 0 : index
    %get3A_0 = arith.constant 0 : index
    %get3A_1 = vector.load %arg1[%get3A, %get3A_0] : memref<2000x256xf32, #tpu.memory_space<vmem>>, vector<2000x256xf32>
    %get3A_2 = arith.constant 0 : index
    %get3A_3 = arith.constant 0 : index
    %get3A_4 = vector.load %arg2[%get3A_2, %get3A_3] : memref<256x64xf32, #tpu.memory_space<vmem>>, vector<256x64xf32>
    %dot_general3A = arith.constant dense<0.000000e+00> : vector<2000x64xf32>
    %dot_general3A_5 = tpu.matmul %get3A_1, %get3A_4, %dot_general3A {dimension_numbers = #tpu.dot_dimension_numbers<[1], [0], [0], [1], [0, 0, 1, 1], [], []>, transpose_lhs_hint = false} : vector<2000x256xf32>, vector<256x64xf32>, vector<2000x64xf32> -> vector<2000x64xf32>
    %swap3A = arith.constant 0 : index
    %swap3A_6 = arith.constant 0 : index
    %swap3A_7 = vector.load %arg3[%swap3A, %swap3A_6] : memref<2000x64xf32, #tpu.memory_space<vmem>>, vector<2000x64xf32>
    tpu.vector_store %arg3[%swap3A, %swap3A_6], %dot_general3A_5 {strides = array<i32>} : memref<2000x64xf32, #tpu.memory_space<vmem>>, vector<2000x64xf32>,
    return
  }
  func.func @transform_0(%arg0: i32) -> (i32, i32) {
    %c0_i32 = arith.constant 0 : i32
    %c0_i32_0 = arith.constant 0 : i32
    return %arg0, %c0_i32 : i32, i32
  }
  func.func @transform_1(%arg0: i32) -> (i32, i32) {
    %c0_i32 = arith.constant 0 : i32
    %c0_i32_0 = arith.constant 0 : i32
    %c0_i32_1 = arith.constant 0 : i32
    return %c0_i32, %c0_i32_0 : i32, i32
  }
  func.func @transform_2(%arg0: i32) -> (i32, i32) {
    %c0_i32 = arith.constant 0 : i32
    %c0_i32_0 = arith.constant 0 : i32
    return %arg0, %c0_i32 : i32, i32
  }
}

module attributes {stable_mosaic.version = 14 : i64} {
  func.func @body(%arg0: i32, %arg1: memref<1000x128xf32, #tpu.memory_space<vmem>>, %arg2: memref<2x1000x128xf32, #tpu.memory_space<vmem>>, %arg3: memref<1x128xf32, #tpu.memory_space<vmem>>, %arg4: memref<128x128xf32, #tpu.memory_space<vmem>>, %arg5: memref<1000x128xf32, #tpu.memory_space<vmem>>) attributes {dimension_semantics = [#tpu.dimension_semantics<arbitrary>], iteration_bounds = array<i64: 5>, scalar_prefetch = 0 : i64, scratch_operands = 0 : i64, tpu.core_type = #tpu.core_type<tc>, window_params = [{transform_indices = @transform_0, window_bounds = array<i64: 1000, 128>}, {transform_indices = @transform_1, window_bounds = array<i64: 2, 1000, 128>}, {pipeline_mode = #tpu.pipeline_mode<synchronous>, transform_indices = @transform_2, window_bounds = array<i64: 1, 128>}, {pipeline_mode = #tpu.pipeline_mode<synchronous>, transform_indices = @transform_3, window_bounds = array<i64: 128, 128>}, {transform_indices = @transform_4, window_bounds = array<i64: 1000, 128>}]} {
    %get3A = arith.constant 0 : index
    %get3A_0 = arith.constant 0 : index
    %get3A_1 = vector.load %arg1[%get3A, %get3A_0] : memref<1000x128xf32, #tpu.memory_space<vmem>>, vector<1000x128xf32>
    %get3A_2 = arith.constant 0 : index
    %get3A_3 = arith.constant 0 : index
    %get3A_4 = arith.constant 0 : index
    %get3A_5 = vector.load %arg2[%get3A_2, %get3A_3, %get3A_4] : memref<2x1000x128xf32, #tpu.memory_space<vmem>>, vector<1x1000x128xf32>
    %get3A_6 = vector.shape_cast %get3A_5 : vector<1x1000x128xf32> to vector<1000x128xf32>
    %add3A = arith.addf %get3A_1, %get3A_6 : vector<1000x128xf32>
    %get3A_7 = arith.constant 1 : index
    %get3A_8 = arith.constant 0 : index
    %get3A_9 = arith.constant 0 : index
    %get3A_10 = vector.load %arg2[%get3A_7, %get3A_8, %get3A_9] : memref<2x1000x128xf32, #tpu.memory_space<vmem>>, vector<1x1000x128xf32>
    %get3A_11 = vector.shape_cast %get3A_10 : vector<1x1000x128xf32> to vector<1000x128xf32>
    %add3A_12 = arith.addf %add3A, %get3A_11 : vector<1000x128xf32>
    %get3A_13 = arith.constant 0 : index
    %get3A_14 = arith.constant 0 : index
    %get3A_15 = vector.load %arg3[%get3A_13, %get3A_14] : memref<1x128xf32, #tpu.memory_space<vmem>>, vector<1x128xf32>
    %add3A_16 = vector.broadcast %get3A_15 : vector<1x128xf32> to vector<1000x128xf32>
    %add3A_17 = arith.addf %add3A_12, %add3A_16 : vector<1000x128xf32>
    %max3A = arith.constant 0.000000e+00 : f32
    %max3A_18 = vector.broadcast %max3A : f32 to vector<1000x128xf32>
    %max3A_19 = arith.maximumf %add3A_17, %max3A_18 : vector<1000x128xf32>
    %get3A_20 = arith.constant 0 : index
    %get3A_21 = arith.constant 0 : index
    %get3A_22 = vector.load %arg4[%get3A_20, %get3A_21] : memref<128x128xf32, #tpu.memory_space<vmem>>, vector<128x128xf32>
    %dot_general3A = arith.constant dense<0.000000e+00> : vector<1000x128xf32>
    %dot_general3A_23 = tpu.matmul %max3A_19, %get3A_22, %dot_general3A {dimension_numbers = #tpu.dot_dimension_numbers<[1], [0], [0], [1], [0, 0, 1, 1], [], []>, transpose_lhs_hint = false} : vector<1000x128xf32>, vector<128x128xf32>, vector<1000x128xf32> -> vector<1000x128xf32>
    %swap3A = arith.constant 0 : index
    %swap3A_24 = arith.constant 0 : index
    %swap3A_25 = vector.load %arg5[%swap3A, %swap3A_24] : memref<1000x128xf32, #tpu.memory_space<vmem>>, vector<1000x128xf32>
    tpu.vector_store %arg5[%swap3A, %swap3A_24], %dot_general3A_23 {strides = array<i32>} : memref<1000x128xf32, #tpu.memory_space<vmem>>, vector<1000x128xf32>,
    return
  }
  func.func @transform_0(%arg0: i32) -> (i32, i32) {
    %c0_i32 = arith.constant 0 : i32
    %c0_i32_0 = arith.constant 0 : i32
    return %arg0, %c0_i32 : i32, i32
  }
  func.func @transform_1(%arg0: i32) -> (i32, i32, i32) {
    %c0_i32 = arith.constant 0 : i32
    %c0_i32_0 = arith.constant 0 : i32
    %c0_i32_1 = arith.constant 0 : i32
    return %c0_i32, %arg0, %c0_i32_0 : i32, i32, i32
  }
  func.func @transform_2(%arg0: i32) -> (i32, i32) {
    %c0_i32 = arith.constant 0 : i32
    %c0_i32_0 = arith.constant 0 : i32
    %c0_i32_1 = arith.constant 0 : i32
    return %c0_i32, %c0_i32_0 : i32, i32
  }
  func.func @transform_3(%arg0: i32) -> (i32, i32) {
    %c0_i32 = arith.constant 0 : i32
    %c0_i32_0 = arith.constant 0 : i32
    %c0_i32_1 = arith.constant 0 : i32
    return %c0_i32, %c0_i32_0 : i32, i32
  }
  func.func @transform_4(%arg0: i32) -> (i32, i32) {
    %c0_i32 = arith.constant 0 : i32
    %c0_i32_0 = arith.constant 0 : i32
    return %arg0, %c0_i32 : i32, i32
  }
}

module attributes {stable_mosaic.version = 14 : i64} {
  func.func @body(%arg0: i32, %arg1: memref<1000x128xf32, #tpu.memory_space<vmem>>, %arg2: memref<2x1000x128xf32, #tpu.memory_space<vmem>>, %arg3: memref<1x128xf32, #tpu.memory_space<vmem>>, %arg4: memref<1000x128xf32, #tpu.memory_space<vmem>>) attributes {dimension_semantics = [#tpu.dimension_semantics<arbitrary>], iteration_bounds = array<i64: 5>, scalar_prefetch = 0 : i64, scratch_operands = 0 : i64, tpu.core_type = #tpu.core_type<tc>, window_params = [{transform_indices = @transform_0, window_bounds = array<i64: 1000, 128>}, {transform_indices = @transform_1, window_bounds = array<i64: 2, 1000, 128>}, {pipeline_mode = #tpu.pipeline_mode<synchronous>, transform_indices = @transform_2, window_bounds = array<i64: 1, 128>}, {transform_indices = @transform_3, window_bounds = array<i64: 1000, 128>}]} {
    %get3A = arith.constant 0 : index
    %get3A_0 = arith.constant 0 : index
    %get3A_1 = vector.load %arg1[%get3A, %get3A_0] : memref<1000x128xf32, #tpu.memory_space<vmem>>, vector<1000x128xf32>
    %get3A_2 = arith.constant 0 : index
    %get3A_3 = arith.constant 0 : index
    %get3A_4 = arith.constant 0 : index
    %get3A_5 = vector.load %arg2[%get3A_2, %get3A_3, %get3A_4] : memref<2x1000x128xf32, #tpu.memory_space<vmem>>, vector<1x1000x128xf32>
    %get3A_6 = vector.shape_cast %get3A_5 : vector<1x1000x128xf32> to vector<1000x128xf32>
    %add3A = arith.addf %get3A_1, %get3A_6 : vector<1000x128xf32>
    %get3A_7 = arith.constant 1 : index
    %get3A_8 = arith.constant 0 : index
    %get3A_9 = arith.constant 0 : index
    %get3A_10 = vector.load %arg2[%get3A_7, %get3A_8, %get3A_9] : memref<2x1000x128xf32, #tpu.memory_space<vmem>>, vector<1x1000x128xf32>
    %get3A_11 = vector.shape_cast %get3A_10 : vector<1x1000x128xf32> to vector<1000x128xf32>
    %add3A_12 = arith.addf %add3A, %get3A_11 : vector<1000x128xf32>
    %get3A_13 = arith.constant 0 : index
    %get3A_14 = arith.constant 0 : index
    %get3A_15 = vector.load %arg3[%get3A_13, %get3A_14] : memref<1x128xf32, #tpu.memory_space<vmem>>, vector<1x128xf32>
    %add3A_16 = vector.broadcast %get3A_15 : vector<1x128xf32> to vector<1000x128xf32>
    %add3A_17 = arith.addf %add3A_12, %add3A_16 : vector<1000x128xf32>
    %swap3A = arith.constant 0 : index
    %swap3A_18 = arith.constant 0 : index
    %swap3A_19 = vector.load %arg4[%swap3A, %swap3A_18] : memref<1000x128xf32, #tpu.memory_space<vmem>>, vector<1000x128xf32>
    tpu.vector_store %arg4[%swap3A, %swap3A_18], %add3A_17 {strides = array<i32>} : memref<1000x128xf32, #tpu.memory_space<vmem>>, vector<1000x128xf32>,
    return
  }
  func.func @transform_0(%arg0: i32) -> (i32, i32) {
    %c0_i32 = arith.constant 0 : i32
    %c0_i32_0 = arith.constant 0 : i32
    return %arg0, %c0_i32 : i32, i32
  }
  func.func @transform_1(%arg0: i32) -> (i32, i32, i32) {
    %c0_i32 = arith.constant 0 : i32
    %c0_i32_0 = arith.constant 0 : i32
    %c0_i32_1 = arith.constant 0 : i32
    return %c0_i32, %arg0, %c0_i32_0 : i32, i32, i32
  }
  func.func @transform_2(%arg0: i32) -> (i32, i32) {
    %c0_i32 = arith.constant 0 : i32
    %c0_i32_0 = arith.constant 0 : i32
    %c0_i32_1 = arith.constant 0 : i32
    return %c0_i32, %c0_i32_0 : i32, i32
  }
  func.func @transform_3(%arg0: i32) -> (i32, i32) {
    %c0_i32 = arith.constant 0 : i32
    %c0_i32_0 = arith.constant 0 : i32
    return %arg0, %c0_i32 : i32, i32
  }
}

</mosaic_0001>

<sc_bundles>
// kernel: kernel.10.cloned.1.call-start
scs
__scs_entry_jumppad:
0x0: {  	(pc) =	sbr.rel $0x88, $3  }
0x1: {  	(tag) =	ssettag $0x0;
	lr =	simm.s32 $0x1  }
0x2: {  	[smem:$0x3F9B] =	sst lr;
	_ =	strace $0xD0000000  }
0x3: {  	_ = 	snop  }
0x4: {  	_ = 	snop  }
0x5: {  	_ = 	snop  }
0x6: {  	_ = 	snop  }
0x7: {  	_ = 	snop  }
__scs_overlays_trampoline_lowered:
0x8: {  	[smem:$0x3FAA] =	sst s0  }
0x9: {  	[smem:$0x3FAB] =	sst s1  }
0xa: {  	[smem:$0x3FAC] =	sst s2  }
0xb: {  	[smem:$0x3FAD] =	sst s3  }
0xc: {  	[smem:$0x3FAE] =	sst s4  }
0xd: {  	[smem:$0x3FAF] =	sst s5  }
0xe: {  	[smem:$0x3FB0] =	sst s6  }
0xf: {  	[smem:$0x3FB1] =	sst s7  }
0x10: {  	[smem:$0x3FB2] =	sst s8  }
0x11: {  	[smem:$0x3FB3] =	sst s9;
	s0 =	simm.s32 @!p0 $0x0  }
0x12: {  	s1 =	sld [smem:$0x3F99];
	s0 =	simm.s32 @p0 $0x1  }
0x13: {  	[smem:$0x3FB4] =	sst s0;
	s0 =	simm.s32 @!p1 $0x0  }
0x14: {  	s2 =	sld [smem:$0x3F98];
	s0 =	simm.s32 @p1 $0x1  }
0x15: {  	[smem:$0x3FB5] =	sst s0;
	s0 =	simm.s32 @!p2 $0x0  }
0x16: {  	s3 =	sld [smem:$0x3FDB];
	s0 =	simm.s32 @p2 $0x1  }
0x17: {  	s4 =	simm.s32 $0x1BF5;
	[smem:$0x3FB7] =	sst s0  }
0x18: {  	s0 =	sld [smem:$0x3F9A];
	_ =	swait.ge [sflag:s4], $0x0  }
0x19: {  	s7 =	sld [smem:$0x3F9B]  }
0x1a: {  	s8 =	sadd.s32 $0xFFFFE003, lr  }
0x1b: {  	s9 =	sadd.s32 $0xFFFFFEF7, lr;
	s5 =	simm.s32 $0xFFFFFFFF;
	p2 =	slt.u32 s8, $0xFFFFF086  }
0x1c: {  	p1 =	slt.u32 s9, $0xF7A;
	s5 =	simm.s32 @!p2 $0x0  }
0x1d: {  	s5 =	simm.s32 @p1 $0x1;
	p0 =	seq.s32 s7, s2  }
0x1e: {  	s7 =	smul.u32 @!p0 $0xF7A, s2;
	p2 =	seq.s32 @!p0 s5, $0x0  }
0x1f: {  	s9 =	smul.u32 $0xF7A, s1;
	s8 =	simm.s32 @!p0 $0x1BF5;
	p2 =	por !p2, p0  }
0x20: {  	[sflag:s8] =	ssyncset.s32 @!p0 $0xFFFFF086;
	s6 =	sadd.s32 @!p0 s3, s7;
	s7 =	simm.s32 @!p0 $0x108  }
0x21: {  	s3 =	sadd.s32 s3, s9;
	s6 =	sadd.s32 @!p0 $0x88, s6;
	s7 =	simm.s32 @p2 $0x1082  }
0x22: {  	[simem:s7], [sflag:s8] =	dma.local @!p0 [hbm:s6], $0xF7A  }
0x23: {  	s9 =	sor.u32 $0xD0000000, s2;
	s6 =	simm.s32 $0x108;
	_ =	swait.ge @!p0 [sflag:s8], $0x0  }
0x24: {  	s3 =	sadd.s32 $0x88, s3;
	s6 =	simm.s32 @!p1 $0x1082;
	[sflag:s4] =	ssyncset.s32 $0xFFFFF086  }
0x25: {  	[simem:s6], [sflag:s4] =	dma.local [hbm:s3], $0xF7A  }
0x26: {  	[smem:$0x3F9B] =	sst s1;
	(tag) =	ssettag s2;
	_ =	strace s9  }
0x27: {  	s1 =	sld [smem:$0x3FAB]  }
0x28: {  	s2 =	sld [smem:$0x3FAC]  }
0x29: {  	s4 =	sld [smem:$0x3FAE]  }
0x2a: {  	p0 =	seq.s32 s5, $0x0;
	s5 =	sld [smem:$0x3FAF]  }
0x2b: {  	s6 =	sld [smem:$0x3FB0]  }
0x2c: {  	s7 =	sld [smem:$0x3FB1]  }
0x2d: {  	s3 =	simm.s32 $0x108;
	s8 =	sld [smem:$0x3FB2]  }
0x2e: {  	s3 =	simm.s32 @!p0 $0x1082;
	s9 =	sld [smem:$0x3FB3]  }
0x2f: {  	lr =	sadd.s32 s0, s3;
	s0 =	sld [smem:$0x3FAA]  }
0x30: {  	s3 =	sld [smem:$0x3FAD]  }
0x31: {  	[smem:$0x3FB6] =	sst s10  }
0x32: {  	s10 =	sld [smem:$0x3FB4];
	_ =	sdelay $0x3  }
0x33: {  	p0 =	seq.s32 s10, $0x1;
	s10 =	sld [smem:$0x3FB6];
	_ =	sdelay $0x3  }
0x34: {  	[smem:$0x3FB6] =	sst s10  }
0x35: {  	s10 =	sld [smem:$0x3FB5];
	_ =	sdelay $0x3  }
0x36: {  	p1 =	seq.s32 s10, $0x1;
	s10 =	sld [smem:$0x3FB6];
	_ =	sdelay $0x3  }
0x37: {  	[smem:$0x3FB6] =	sst s10  }
0x38: {  	s10 =	sld [smem:$0x3FB7]  }
0x39: {  	_ = 	snop;
	(pc) =	sbr.ind lr, $3  }
0x3a: {  	_ = 	snop  }
0x3b: {  	_ = 	snop  }
0x3c: {  	p2 =	seq.s32 s10, $0x1;
	s10 =	sld [smem:$0x3FB6]  }
0x3d: {  	_ =	shalt  }
0x3e: {  	_ =	shalt  }
0x3f: {  	_ =	shalt  }
0x40: {  	_ =	shalt  }
0x41: {  	_ =	shalt  }
0x42: {  	_ =	shalt  }
0x43: {  	_ =	shalt  }
0x44: {  	_ =	shalt  }
0x45: {  	_ =	shalt  }
0x46: {  	_ =	shalt  }
0x47: {  	_ =	shalt  }
0x48: {  	_ =	shalt  }
0x49: {  	_ =	shalt  }
0x4a: {  	_ =	shalt  }
0x4b: {  	_ =	shalt  }
0x4c: {  	_ =	shalt  }
0x4d: {  	_ =	shalt  }
0x4e: {  	_ =	shalt  }
0x4f: {  	_ =	shalt  }
0x50: {  	_ =	shalt  }
0x51: {  	_ =	shalt  }
0x52: {  	_ =	shalt  }
0x53: {  	_ =	shalt  }
0x54: {  	_ =	shalt  }
0x55: {  	_ =	shalt  }
0x56: {  	_ =	shalt  }
0x57: {  	_ =	shalt  }
0x58: {  	_ =	shalt  }
0x59: {  	_ =	shalt  }
0x5a: {  	_ =	shalt  }
0x5b: {  	_ =	shalt  }
0x5c: {  	_ =	shalt  }
0x5d: {  	_ =	shalt  }
0x5e: {  	_ =	shalt  }
0x5f: {  	_ =	shalt  }
0x60: {  	_ =	shalt  }
0x61: {  	_ =	shalt  }
0x62: {  	_ =	shalt  }
0x63: {  	_ =	shalt  }
0x64: {  	_ =	shalt  }
0x65: {  	_ =	shalt  }
0x66: {  	_ =	shalt  }
0x67: {  	_ =	shalt  }
0x68: {  	_ =	shalt  }
0x69: {  	_ =	shalt  }
0x6a: {  	_ =	shalt  }
0x6b: {  	_ =	shalt  }
0x6c: {  	_ =	shalt  }
0x6d: {  	_ =	shalt  }
0x6e: {  	_ =	shalt  }
0x6f: {  	_ =	shalt  }
0x70: {  	_ =	shalt  }
0x71: {  	_ =	shalt  }
0x72: {  	_ =	shalt  }
0x73: {  	_ =	shalt  }
0x74: {  	_ =	shalt  }
0x75: {  	_ =	shalt  }
0x76: {  	_ =	shalt  }
0x77: {  	_ =	shalt  }
0x78: {  	_ =	shalt  }
0x79: {  	_ =	shalt  }
0x7a: {  	_ =	shalt  }
0x7b: {  	_ =	shalt  }
0x7c: {  	_ =	shalt  }
0x7d: {  	_ =	shalt  }
0x7e: {  	_ =	shalt  }
0x7f: {  	_ =	shalt  }
0x80: {  	_ =	shalt  }
0x81: {  	_ =	shalt  }
0x82: {  	_ =	shalt  }
0x83: {  	_ =	shalt  }
0x84: {  	_ =	shalt  }
0x85: {  	_ =	shalt  }
0x86: {  	_ =	shalt  }
0x87: {  	_ =	shalt  }
.Lfunc_end0:
.L_simem_size_0:
called_computation.1_lowered:
.L_overlay_start_0:
0x88: {  	s2 =	sld [smem:$0x3FD9]  }
0x89: {  	s3 =	sld [smem:$0x3FFE];
	_ =	sdelay $0x1  }
0x8a: {  	s1 =	srdreg.scid  }
0x8b: {  	s0 =	sand.u32 $0x1, s1  }
0x8c: {  	s17 =	sshll.u32 s0, $0xA;
	s2 =	sadd.s32 s3, s2  }
0x8d: {  	s2 =	sadd.s32 s2, s17  }
0x8e: {  	[smem:$0x3FC2] =	sst s2  }
0x8f: {  	_ = 	snop  }
0x90: {  	s2 =	sld [smem:$0x3FD0];
	(tm) =	ssettm $0x1  }
0x91: {  	s18 =	sld [smem:$0x3FFB];
	_ =	sdelay $0x3  }
0x92: {  	_ =	strace s18  }
0x93: {  	s3 =	sld [smem:$0x3FFC];
	_ =	sdelay $0x3  }
0x94: {  	_ =	strace s3  }
0x95: {  	s3 =	sld [smem:$0x3FFD];
	_ =	sdelay $0x3  }
0x96: {  	_ =	strace s3  }
0x97: {  	_ =	strace $0x8FFFFFFF  }
0x98: {  	s19 =	sld [smem:$0x3FDB];
	_ =	sdelay $0x1  }
0x99: {  	s4 =	simm.s32 $_scs_section_size  }
0x9a: {  	s5 =	simm.s32 $_size__tile_overlayer_lowered;
	s6 =	simm.s32 $_tile_overlayer_lowered  }
0x9b: {  	s22 =	simm.s32 $0x1BFF;
	s21 =	sshll.u32 s6, $0x1;
	s3 =	sadd.s32 s4, s19  }
0x9c: {  	s7 =	simm.s32 $0x0;
	s20 =	sshll.u32 s5, $0x1;
	s5 =	sadd.s32 s21, s3  }
0x9d: {  	[timem:s7], [sflag:s22] =	dma.local [hbm:s5], s20  }
0x9e: {  	_ =	swait.ge [sflag:s22], s20  }
0x9f: {  	s4 =	ssub.s32 $0x0, s20;
	[sflag:s22] =	ssyncset.done $0x0  }
0xa0: {  	[sflag:s22] =	ssyncadd.s32 s4;
	_ =	sdelay $0x1  }
0xa1: {  	s23 =	simm.s32 $0x1B8B  }
0xa2: {  	_ =	swait.ge [sflag:s23], $0x1  }
0xa3: {  	[sflag:s23] =	ssyncset.done $0x0  }
0xa4: {  	s25 =	simm.s32 $0x1B8E;
	s24 =	sld [smem:$0x3FFE];
	[sflag:s23] =	ssyncadd.s32 $0xFFFFFFFF  }
0xa5: {  	s26 =	simm.s32 $execute0_lowered;
	[smem:$0x3FD2] =	sst s25  }
0xa6: {  	s5 =	sshll.u32 s26, $0x1;
	_ =	strace $0x80000049;
	[dreg:$0x1] =	wrdreg $0xFFFFFFFF  }
0xa7: {  	s28 =	simm.s32 $_size_execute0_lowered;
	s3 =	sadd.s32 s3, s5;
	[dreg:$0x0] =	wrdreg $0x0  }
0xa8: {  	s5 =	sshll.u32 s28, $0x1;
	[dreg:$0x2] =	wrdreg s3  }
0xa9: {  	[dreg:$0x3] =	wrdreg s5  }
0xaa: {  	[dreg:$0x4] =	wrdreg $0xC0  }
0xab: {  	_ =	task [dreg:s7], $0x5FFFF  }
0xac: {  	[dreg:$0x1] =	wrdreg $0xFFFFFFFF  }
0xad: {  	[dreg:$0x0] =	wrdreg $0x60  }
0xae: {  	[dreg:$0x2] =	wrdreg s2  }
0xaf: {  	[dreg:$0x3] =	wrdreg s24  }
0xb0: {  	[dreg:$0x4] =	wrdreg $0xC3A00  }
0xb1: {  	[dreg:$0x5] =	wrdreg $0x9  }
0xb2: {  	_ =	task.clear_ibuf [dreg:s7], $0x6FFFF;
	_ =	strace $0x90000049  }
0xb3: {  	s29 =	simm.s32 $0x9;
	_ =	strace $0x8000004B  }
0xb4: {  	_ =	swait.ge [sflag:s29], $0x1  }
0xb5: {  	[sflag:s29] =	ssyncadd.s32 $0xFFFFFFFF  }
0xb6: {  	_ =	strace $0x9000004B  }
0xb7: {  	_ =	sfence  }
0xb8: {  	s30 =	sld [smem:$0x0];
	_ =	sdelay $0x2  }
0xb9: {  	s31 =	sshll.u32 s1, $0xD;
	s1 =	sshrl.u32 s1, $0x2  }
0xba: {  	s3 =	sand.u32 $0x4000, s31;
	s1 =	sadd.s32 s1, s30  }
0xbb: {  	s0 =	sor.u32 s3, s0;
	s1 =	sshll.u32 s1, $0x11  }
0xbc: {  	s0 =	sor.u32 s1, s0  }
0xbd: {  	s0 =	sadd.s32 $0x8F2B, s0  }
0xbe: {  	[sflag:s0] =	ssyncadd.remote.s32 $0x1  }
0xbf: {  	_ =	sfence.sel $0xFFFF  }
0xc0: {  	[dreg:$0x0] =	wrdreg $0xFFFFFFFF;
	(pc) =	sbr.abs _section_cstart, $3  }
0xc1: {  	[dreg:$0x1] =	wrdreg $0xFFFFFFFF  }
0xc2: {  	_ =	task.clear_ibuf [dreg:s7], $0x2FFFF;
	_ =	strace $0x9FFFFFFF  }
0xc3: {  	(tm) =	ssettm $0x7FFFFFFF  }
tec
execute0_lowered:
.L_overlay_start_1:
0x0: {  	(tag) =	ssettag $0x1  }
0x1: {  	s0 =	rddreg [dreg:$0x0]  }
0x2: {  	s5 =	rddreg [dreg:$0x1]  }
0x3: {  	s1 =	srdreg.scid;
	s3 =	rddreg [dreg:$0x2]  }
0x4: {  	s2 =	stileid.u32;
	s4 =	simm.s32 $0x0;
	s31 =	simm.s32 $0x1  }
0x5: {  	s29 =	simm.s32 $0x2;
	s30 =	simm.s32 $0x4;
	s1 =	sand.u32 $0x1, s1  }
0x6: {  	[smem:$0x7FF] =	sst s4;
	s9 =	sadd.s32 $0x1A00, s5;
	s13 =	smul.u32 $0x3200, s2  }
0x7: {  	s5 =	sadd.s32 $0xB800, s5;
	s16 =	sor.u32 $0x30, s2;
	s26 =	smul.u32 $0x9C400, s1  }
0x8: {  	s6 =	sshll.u32 s1, $0x4;
	_ =	strace $0x8000004A;
	s17 =	smul.u32 $0x3200, s16  }
0x9: {  	s10 =	ssub.s32 $0x2, s1;
	s1 =	smul.u32 $0xA0, s1;
	s7 =	sor.u32 s2, s6  }
0xa: {  	p0 =	sgt.u32 s16, $0x31;
	s11 =	sshrl.u32 s10, $0x1;
	s8 =	smul.u32 $0x50, s7  }
0xb: {  	s15 =	sadd.s32 $0x32000, s13;
	s19 =	sadd.s32 $0x64000, s13;
	s12 =	smul.u32 $0xA, s7  }
0xc: {  	s10 =	ssub.s32 s10, s11;
	s28 =	ssub.s32 $0x830, s7;
	s11 =	sxor.u32 $0x7D0, s6  }
0xd: {  	s14 =	sadd.s32 s26, s13;
	s20 =	sadd.s32 s26, s19;
	s1 =	sadd.s32 s1, s9  }
0xe: {  	s7 =	sor.u32 $0xC0, s7;
	s10 =	smax.u32 s10, $0x1;
	[dreg:$0x4] =	wrdreg s28  }
0xf: {  	s6 =	sshrl.u32 s14, $0x3;
	s14 =	sadd.s32 s26, s15;
	[dreg:$0x5] =	wrdreg s7  }
0x10: {  	s8 =	sshrl.u32 s8, $0x3;
	s21 =	sadd.s32 s9, s12;
	[dreg:$0xc] =	wrdreg s10  }
0x11: {  	s6 =	sadd.s32 s5, s6;
	s18 =	sshrl.u32 s14, $0x3;
	[dreg:$0x6] =	wrdreg s21  }
0x12: {  	s8 =	sadd.s32 s9, s8;
	[dreg:$0xd] =	wrdreg s6;
	s6 =	sadd.s32 s5, s18  }
0x13: {  	s12 =	sadd.s32 s26, s17;
	s22 =	sadd.s32 $0x140, s8;
	[dreg:$0xe] =	wrdreg s6  }
0x14: {  	s12 =	sshrl.u32 s12, $0x3;
	s23 =	sadd.s32 $0x280, s8;
	[dreg:$0x7] =	wrdreg s22  }
0x15: {  	s21 =	smul.u32 $0x2800, s2;
	s24 =	sadd.s32 $0x3C0, s8;
	[dreg:$0x8] =	wrdreg s23  }
0x16: {  	s25 =	sadd.s32 $0x500, s8;
	s8 =	sadd.s32 $0x640, s8;
	[dreg:$0x9] =	wrdreg s24  }
0x17: {  	s6 =	sshrl.u32 s20, $0x3;
	s20 =	simm.s32 $0x27100;
	[dreg:$0xa] =	wrdreg s25  }
0x18: {  	[dreg:$0xb] =	wrdreg s8;
	s6 =	sadd.s32 s5, s6;
	s5 =	sadd.s32 s5, s12  }
0x19: {  	s22 =	sadd.s32 s13, s3;
	s23 =	smul.u32 $0xA, s2;
	s8 =	sadd.s32 s15, s3  }
0x1a: {  	s24 =	sadd.s32 s19, s3;
	s13 =	sadd.s32 s17, s3;
	[dreg:$0xf] =	wrdreg s6  }
0x1b: {  	s19 =	simm.s32 $0x50;
	[dreg:$0x10] =	wrdreg s5;
	s25 =	sshrl.u32 s22, $0x3  }
0x1c: {  	s5 =	sshrl.u32 s21, $0x2;
	s26 =	sshrl.u32 s8, $0x3;
	[dreg:$0x11] =	wrdreg s25  }
0x1d: {  	s28 =	sshrl.u32 s24, $0x3;
	s1 =	sadd.s32 s23, s1;
	[dreg:$0x12] =	wrdreg s26  }
0x1e: {  	s17 =	sadd.s32 s5, s3;
	[dreg:$0x13] =	wrdreg s28;
	s25 =	sshrl.u32 @!p0 s13, $0x3  }
0x1f: {  	v0 =	vimm.f32 $0.0e+00;
	s5 =	simm.s32 $0x1C;
	s18 =	sadd.s32 $0x780, s1;
	s1 =	simm.s32 $0x3  }
.LBB2_1:
0x20: {  	s6 =	simm.s32 $0x0  }
.LBB2_2:
0x21: {  	p1 =	sne.s32 s6, $0x2700  }
.Ltmp0:
0x22: {  	s7 =	sshra.s32 s6, $0x2;
	(pc) =	sbr.rel @p1 .LBB2_2-.Ltmp0, $4  }
0x23: {  	[tilespmem:s7+$0xB9A0] =	vst v0  }
0x24: {  	[tilespmem:s7+$0xB9B0] =	vst v0  }
0x25: {  	[tilespmem:s7+$0xB9C0] =	vst v0  }
0x26: {  	s6 =	sadd.s32 $0x100, s6;
	[tilespmem:s7+$0xB9D0] =	vst v0  }
0x27: {  	s6 =	sadd.s32 $0x0, s2  }
0x28: {  	p1 =	sgt.u32 s6, $0xF9  }
0x29: {  	s6 =	simm.s32 @!p1 $0xB9A0;
	s9 =	simm.s32 @!p1 $0x1C  }
0x2a: {  	[spmem:s17] =	stream.linear.scatter @!p1 [tilespmem:s6], [sflag:$0x1C], $0xA00, $0x38;
	[tilespmem:$0x15FE0] =	vst v63  }
0x2b: {  	s7 =	simm.s32 $0x10;
	_ =	swait.ge @!p1 [sflag:s9], $0xA00  }
0x2c: {  	s8 =	simm.s32 $0x20;
	s6 =	sadd.s32 $0xA000, s17;
	[sflag:s9] =	ssyncset.done @!p1 $0x0  }
.LBB2_4:
0x2d: {  	s10 =	sadd.s32 s7, s2;
	s7 =	smov.u32 s8;
	s8 =	sadd.s32 $0x10, s8  }
0x2e: {  	[sflag:s9] =	ssyncadd.s32 @!p1 $0xFFFFF600;
	p2 =	sne.s32 s8, $0x100  }
.Ltmp1:
0x2f: {  	p1 =	sgt.u32 s10, $0xF9;
	(pc) =	sbr.rel @p2 .LBB2_4-.Ltmp1, $4  }
0x30: {  	s10 =	simm.s32 @!p1 $0xB9A0;
	s9 =	simm.s32 @!p1 $0x1C  }
0x31: {  	[spmem:s6] =	stream.linear.scatter @!p1 [tilespmem:s10], [sflag:$0x1C], $0xA00, $0x38;
	[tilespmem:$0x15FE0] =	vst v63  }
0x32: {  	_ =	swait.ge @!p1 [sflag:s9], $0xA00  }
0x33: {  	s6 =	sadd.s32 $0xA000, s6;
	[sflag:s9] =	ssyncset.done @!p1 $0x0  }
0x34: {  	s7 =	sadd.s32 s7, s2  }
0x35: {  	p2 =	sgt.u32 s7, $0xF9  }
0x36: {  	[sflag:s9] =	ssyncadd.s32 @!p1 $0xFFFFF600;
	s7 =	simm.s32 @!p2 $0xB9A0;
	s8 =	simm.s32 @!p2 $0x1C  }
0x37: {  	[spmem:s6] =	stream.linear.scatter @!p2 [tilespmem:s7], [sflag:$0x1C], $0xA00, $0x38;
	[tilespmem:$0x15FE0] =	vst v63  }
0x38: {  	_ =	swait.ge @!p2 [sflag:s8], $0xA00  }
0x39: {  	[sflag:s8] =	ssyncset.done @!p2 $0x0  }
0x3a: {  	[sflag:s8] =	ssyncadd.s32 @!p2 $0xFFFFF600  }
0x3b: {  	[bflag:$0x0] =	sbarrier.arrive $0xFFFF  }
0x3c: {  	s6 =	simm.s32 $0x0;
	s22 =	rddreg [dreg:$0x6]  }
0x3d: {  	[tilespmem:s6], [sflag:$0x1] =	stream.strided.gather [hbm4b:s22+s19], $0xA0, s20, s19, $0x38;
	[tilespmem:$0x15FE0] =	vst v63  }
0x3e: {  	s24 =	simm.s32 $0xA0;
	s23 =	rddreg [dreg:$0x7]  }
0x3f: {  	[tilespmem:s24], [sflag:$0x2] =	stream.strided.gather [hbm4b:s23+s19], $0xA0, s20, s19, $0x38;
	[tilespmem:$0x15FE0] =	vst v63  }
0x40: {  	s28 =	simm.s32 $0x140;
	s26 =	rddreg [dreg:$0x8]  }
0x41: {  	[tilespmem:s28], [sflag:$0x3] =	stream.strided.gather [hbm4b:s26+s19], $0xA0, s20, s19, $0x38;
	[tilespmem:$0x15FE0] =	vst v63  }
0x42: {  	s10 =	simm.s32 $0x1E0;
	s12 =	rddreg [dreg:$0x9]  }
0x43: {  	[tilespmem:s10], [sflag:$0x4] =	stream.strided.gather [hbm4b:s12+s19], $0xA0, s20, s19, $0x38;
	[tilespmem:$0x15FE0] =	vst v63  }
0x44: {  	s13 =	rddreg [dreg:$0xa];
	s12 =	simm.s32 $0x280  }
0x45: {  	[tilespmem:s12], [sflag:$0x5] =	stream.strided.gather [hbm4b:s13+s19], $0xA0, s20, s19, $0x38;
	[tilespmem:$0x15FE0] =	vst v63  }
0x46: {  	s15 =	simm.s32 $0x320;
	s14 =	rddreg [dreg:$0xb]  }
0x47: {  	[tilespmem:s15], [sflag:$0x6] =	stream.strided.gather [hbm4b:s14+s19], $0xA0, s20, s19, $0x38;
	[tilespmem:$0x15FE0] =	vst v63  }
0x48: {  	_ =	swait.ge [sflag:s31], $0xA0  }
0x49: {  	[sflag:s31] =	ssyncset.done $0x0  }
0x4a: {  	s16 =	simm.s32 $0x5A0;
	[sflag:s31] =	ssyncadd.s32 $0xFFFFFF60  }
0x4b: {  	[tilespmem:s16], [sflag:$0xA] =	stream.indirect.gather [hbm4b:s0+s19], $0x40, s6, s19, $0xb8;
	[tilespmem:$0x15FE0] =	vst v63  }
0x4c: {  	_ =	swait.ge [sflag:s29], $0xA0  }
0x4d: {  	s23 =	simm.s32 $0x6;
	[sflag:s29] =	ssyncset.done $0x0  }
0x4e: {  	s21 =	simm.s32 $0x19A0;
	s7 =	smul.u32 $0x39, s23;
	[sflag:s29] =	ssyncadd.s32 $0xFFFFFF60  }
0x4f: {  	[tilespmem:s21], [sflag:$0xB] =	stream.indirect.gather [hbm4b:s0+s19], $0x40, s24, s19, $0xb8;
	[tilespmem:$0x15FE0] =	vst v63  }
0x50: {  	p1 =	por $0x1, $0x1;
	s26 =	sshrl.u32 s7, $0x9;
	_ =	swait.ge [sflag:s1], $0xA0  }
0x51: {  	s22 =	simm.s32 $0x2DA0;
	s8 =	sand.u32 $0x7F, s26;
	[sflag:s1] =	ssyncset.done $0x0  }
0x52: {  	s7 =	sadd.s32 $0xFFFFFEAA, s7;
	s8 =	smul.u32 $0x9, s8;
	[sflag:s1] =	ssyncadd.s32 $0xFFFFFF60  }
0x53: {  	[tilespmem:s22], [sflag:$0xC] =	stream.indirect.gather [hbm4b:s0+s19], $0x40, s28, s19, $0xb8;
	[tilespmem:$0x15FE0] =	vst v63  }
0x54: {  	s7 =	sshrl.u32 s7, $0x9;
	s8 =	ssub.s32 $0x6, s8;
	_ =	swait.ge [sflag:s30], $0xA0  }
0x55: {  	s8 =	sand.u32 $0xFF, s8;
	[sflag:s30] =	ssyncset.done $0x0;
	s9 =	rddreg [dreg:$0x4]  }
0x56: {  	s24 =	simm.s32 $0x41A0;
	[sflag:s30] =	ssyncadd.s32 $0xFFFFFF60;
	p2 =	sle.u32 @!p1 s9, $0x0  }
0x57: {  	[tilespmem:s24], [sflag:$0xD] =	stream.indirect.gather [hbm4b:s0+s19], $0x40, s10, s19, $0xb8;
	[tilespmem:$0x15FE0] =	vst v63  }
0x58: {  	p3 =	por p2, p1;
	s10 =	simm.s32 $0x4;
	p2 =	sle.u32 s11, $0x80  }
0x59: {  	s7 =	sand.u32 $0x7F, s7;
	s9 =	sadd.s32 @!p3 $0x13, s8;
	s10 =	smul.u32 @!p2 $0x39, s10  }
0x5a: {  	s7 =	smul.u32 $0x9, s7;
	_ =	swait.ge @!p3 [sflag:s9], $0x1400  }
0x5b: {  	s28 =	rddreg [dreg:$0x5];
	s10 =	sshrl.u32 @!p2 s10, $0x9  }
0x5c: {  	s7 =	ssub.s32 $0x0, s7;
	s12 =	sadd.s32 $0x0, s28;
	s10 =	sand.u32 @!p2 $0x7F, s10  }
0x5d: {  	s13 =	sand.u32 $0xFF, s7;
	p4 =	sgt.u32 s12, $0x7CF;
	s10 =	smul.u32 @!p2 $0x9, s10  }
0x5e: {  	p1 =	sle.u32 s11, $0x0;
	[sflag:s9] =	ssyncset.done @!p3 $0x0;
	s7 =	smul.u32 @!p4 $0x280, s8  }
0x5f: {  	[sflag:s9] =	ssyncadd.s32 @!p3 $0xFFFFEC00;
	s8 =	sadd.s32 @!p4 $0x1, s8;
	s14 =	simm.s32 @!p4 $0x27100  }
0x60: {  	s9 =	ssub.s32 @!p2 $0x4, s10;
	s10 =	simm.s32 @!p4 $0x50;
	s7 =	sshrl.u32 @!p4 s7, $0x2  }
0x61: {  	[tilespmem:s7], [sflag:s8] =	stream.strided.gather @!p4 [hbm4b:s18+s10], $0xA0, s14, s10, $0x38;
	[tilespmem:$0x15FE0] =	vst v63  }
0x62: {  	s9 =	sand.u32 @!p2 $0xFF, s9;
	s8 =	smul.u32 @!p1 $0x280, s13  }
0x63: {  	s7 =	sadd.s32 @!p2 $0x1, s9;
	s10 =	smul.u32 @!p2 $0x5000, s9  }
0x64: {  	s14 =	smul.u32 @!p2 $0x280, s9;
	_ =	swait.ge @!p2 [sflag:s7], $0xA0  }
0x65: {  	s12 =	smul.u32 @!p1 $0x5000, s13;
	s9 =	sadd.s32 @!p2 $0xA, s9;
	[sflag:s7] =	ssyncset.done @!p2 $0x0  }
0x66: {  	s10 =	sshrl.u32 @!p2 s10, $0x2;
	s14 =	sshrl.u32 @!p2 s14, $0x2;
	s8 =	sshrl.u32 @!p1 s8, $0x2  }
0x67: {  	[sflag:s7] =	ssyncadd.s32 @!p2 $0xFFFFFF60;
	s7 =	simm.s32 @!p2 $0x50;
	s10 =	sadd.s32 @!p2 $0x5A0, s10  }
0x68: {  	[tilespmem:s10], [sflag:s9] =	stream.indirect.gather @!p2 [hbm4b:s0+s7], $0x40, s14, s7, $0xb8;
	[tilespmem:$0x15FE0] =	vst v63  }
0x69: {  	s7 =	simm.s32 $0x7;
	s9 =	sadd.s32 @!p1 $0x13, s13;
	s10 =	sshrl.u32 @!p1 s12, $0x2  }
0x6a: {  	s12 =	sadd.s32 @!p1 $0x50, s8;
	s13 =	sadd.s32 @!p1 $0xA, s13;
	s14 =	simm.s32 @!p1 $0x50  }
0x6b: {  	s8 =	sadd.s32 $0x140, s18;
	s10 =	sadd.s32 @!p1 $0x5A0, s10;
	_ =	swait.ge @!p1 [sflag:s13], $0x1400  }
.LBB2_6:
0x6c: {  	[sflag:s13] =	ssyncset.done @!p1 $0x0;
	s15 =	smov.u32 s7  }
0x6d: {  	s6 =	sadd.s32 $0x20, s6;
	s7 =	sadd.s32 $0x1, s7;
	s16 =	smul.u32 $0x39, s15  }
0x6e: {  	p2 =	sne.s32 s7, $0x48;
	[sflag:s13] =	ssyncadd.s32 @!p1 $0xFFFFEC00;
	s24 =	sadd.s32 $0xFFFFFFFA, s15  }
0x6f: {  	[spmem:s3] =	stream.indirect.scatter.add.f32 @!p1 [tilespmem:s10], [sflag:s9], $0x40, s12, s14, $0xb8;
	[tilespmem:$0x15FE0] =	vst v63  }
0x70: {  	s26 =	sadd.s32 $0x80, s6;
	s22 =	sadd.s32 $0xFFFFFEAA, s16;
	s23 =	sshrl.u32 s16, $0x9  }
0x71: {  	s12 =	rddreg [dreg:$0x4];
	s9 =	sshrl.u32 s22, $0x9;
	s10 =	sand.u32 $0x7F, s23  }
0x72: {  	p3 =	slt.u32 s24, $0x3;
	s9 =	sand.u32 $0x7F, s9;
	s10 =	smul.u32 $0x9, s10  }
0x73: {  	p1 =	sge.u32 s6, s11;
	p4 =	sge.u32 @!p3 s6, s12;
	s9 =	smul.u32 $0x9, s9  }
0x74: {  	s14 =	sadd.s32 $0xFFFFFFFE, s15;
	p4 =	por p4, p3;
	p3 =	sge.u32 s26, s11  }
0x75: {  	s10 =	ssub.s32 s15, s10;
	s15 =	smul.u32 @!p3 $0x39, s14;
	s9 =	ssub.s32 s24, s9  }
0x76: {  	s12 =	sand.u32 $0xFF, s10;
	s24 =	simm.s32 @!p3 $0x50;
	s13 =	sand.u32 $0xFF, s9  }
0x77: {  	s9 =	sadd.s32 @!p4 $0x13, s12;
	s15 =	sshrl.u32 @!p3 s15, $0x9;
	s16 =	smul.u32 @!p1 $0x5000, s13  }
0x78: {  	_ =	swait.ge @!p4 [sflag:s9], $0x1400;
	s21 =	smul.u32 @!p1 $0x280, s13;
	s15 =	sand.u32 @!p3 $0x7F, s15  }
0x79: {  	[sflag:s9] =	ssyncset.done @!p4 $0x0;
	s28 =	rddreg [dreg:$0x5];
	s15 =	smul.u32 @!p3 $0x9, s15  }
0x7a: {  	[sflag:s9] =	ssyncadd.s32 @!p4 $0xFFFFEC00;
	s9 =	sadd.s32 @!p1 $0x13, s13;
	s10 =	sadd.s32 s6, s28  }
0x7b: {  	s16 =	sshrl.u32 @!p1 s16, $0x2;
	s13 =	sadd.s32 @!p1 $0xA, s13;
	p4 =	sgt.u32 s10, $0x7CF  }
0x7c: {  	s10 =	sadd.s32 @!p1 $0x5A0, s16;
	s14 =	ssub.s32 @!p3 s14, s15;
	s16 =	smul.u32 @!p4 $0x280, s12  }
0x7d: {  	s26 =	sadd.s32 @!p4 $0x1, s12;
	s12 =	sshrl.u32 @!p1 s21, $0x2;
	s14 =	sand.u32 @!p3 $0xFF, s14  }
0x7e: {  	s21 =	simm.s32 @!p4 $0x27100;
	s22 =	sadd.s32 @!p3 $0x1, s14;
	s28 =	smul.u32 @!p3 $0x280, s14  }
0x7f: {  	s23 =	smul.u32 @!p3 $0x5000, s14;
	s15 =	sshrl.u32 @!p4 s16, $0x2;
	s16 =	simm.s32 @!p4 $0x50  }
0x80: {  	[tilespmem:s15], [sflag:s26] =	stream.strided.gather @!p4 [hbm4b:s8+s16], $0xA0, s21, s16, $0x38;
	[tilespmem:$0x15FE0] =	vst v63  }
.Ltmp2:
0x81: {  	s12 =	sadd.s32 @!p1 $0x50, s12;
	_ =	swait.ge @!p3 [sflag:s22], $0xA0;
	(pc) =	sbr.rel @p2 .LBB2_6-.Ltmp2, $4  }
0x82: {  	s14 =	sadd.s32 @!p3 $0xA, s14;
	s15 =	sshrl.u32 @!p3 s23, $0x2;
	[sflag:s22] =	ssyncset.done @!p3 $0x0  }
0x83: {  	s16 =	sshrl.u32 @!p3 s28, $0x2;
	s15 =	sadd.s32 @!p3 $0x5A0, s15;
	[sflag:s22] =	ssyncadd.s32 @!p3 $0xFFFFFF60  }
0x84: {  	[tilespmem:s15], [sflag:s14] =	stream.indirect.gather @!p3 [hbm4b:s0+s24], $0x40, s16, s24, $0xb8;
	[tilespmem:$0x15FE0] =	vst v63  }
0x85: {  	s8 =	sadd.s32 $0x140, s8;
	s14 =	simm.s32 @!p1 $0x50;
	_ =	swait.ge @!p1 [sflag:s13], $0x1400  }
0x86: {  	[sflag:s13] =	ssyncset.done @!p1 $0x0  }
0x87: {  	[sflag:s13] =	ssyncadd.s32 @!p1 $0xFFFFEC00  }
0x88: {  	[spmem:s3] =	stream.indirect.scatter.add.f32 @!p1 [tilespmem:s10], [sflag:s9], $0x40, s12, s14, $0xb8;
	[tilespmem:$0x15FE0] =	vst v63  }
0x89: {  	[bflag:$0x0] =	sbarrier.arrive $0xFFFF  }
0x8a: {  	s6 =	sshll.u32 s2, $0x6;
	s7 =	rddreg [dreg:$0xd]  }
0x8b: {  	s6 =	sor.u32 $0x1C1C, s6;
	s8 =	rddreg [dreg:$0x11]  }
0x8c: {  	[hbm:s7], [sflag:s6] =	dma.local [spmem:s8], $0x640  }
0x8d: {  	_ =	swait.ge [sflag:s5], $0x640  }
0x8e: {  	[sflag:s5] =	ssyncset.done $0x0;
	s22 =	rddreg [dreg:$0xe]  }
0x8f: {  	s23 =	rddreg [dreg:$0x12];
	[sflag:s5] =	ssyncadd.s32 $0xFFFFF9C0  }
0x90: {  	[hbm:s22], [sflag:s6] =	dma.local [spmem:s23], $0x640  }
0x91: {  	_ =	swait.ge [sflag:s5], $0x640  }
0x92: {  	[sflag:s5] =	ssyncset.done $0x0;
	s24 =	rddreg [dreg:$0xf]  }
0x93: {  	s26 =	rddreg [dreg:$0x13];
	[sflag:s5] =	ssyncadd.s32 $0xFFFFF9C0  }
0x94: {  	[hbm:s24], [sflag:s6] =	dma.local [spmem:s26], $0x640  }
0x95: {  	_ =	swait.ge [sflag:s5], $0x640  }
0x96: {  	[sflag:s5] =	ssyncset.done $0x0  }
0x97: {  	s7 =	rddreg [dreg:$0x10];
	[sflag:s5] =	ssyncadd.s32 $0xFFFFF9C0  }
0x98: {  	[hbm:s7], [sflag:s6] =	dma.local @!p0 [spmem:s25], $0x640  }
0x99: {  	s6 =	simm.s32 @!p0 $0x1C  }
0x9a: {  	_ =	swait.ge @!p0 [sflag:s6], $0x640  }
0x9b: {  	s4 =	sadd.s32 $0x1, s4;
	s28 =	rddreg [dreg:$0xc]  }
0x9c: {  	p1 =	sne.s32 s4, s28  }
.Ltmp3:
0x9d: {  	_ = 	snop;
	(pc) =	sbr.rel @p1 .LBB2_1-.Ltmp3, $3  }
0x9e: {  	_ =	sdelay $0x1  }
0x9f: {  	[sflag:s6] =	ssyncset.done @!p0 $0x0  }
0xa0: {  	[sflag:s6] =	ssyncadd.s32 @!p0 $0xFFFFF9C0  }
0xa1: {  	_ =	sfence.sel $0x180000  }
0xa2: {  	[bflag:$0x0] =	sbarrier.arrive $0xFFFF  }
0xa3: {  	_ =	strace $0x9000004A  }
0xa4: {  	[bflag:$0x2] =	sbarrier.arrive $0xFFFF  }
0xa5: {  	p0 =	sne.s32 s2, $0x0;
	s0 =	rddreg [dreg:$0x3]  }
0xa6: {  	s0 =	sadd.s32 @!p0 $0x100000, s0  }
0xa7: {  	[sflag:s0] =	ssyncadd.tile.s32 @!p0 $0x1;
	_ =	shalt  }
.Lfunc_end2:
_tile_overlayer_lowered:
.L_overlay_start_2:
0xa8: {  	(tag) =	ssettag $0x2  }
0xa9: {  	s0 =	rddreg [dreg:$0x0];
	s2 =	stileid.u32  }
0xaa: {  	s1 =	rddreg [dreg:$0x1];
	p0 =	sne.s32 s2, $0x0  }
0xab: {  	s3 =	rddreg [dreg:$0x2];
	[bflag:$0x3] =	sbarrier.arrive $0xFFFF;
	s2 =	simm.s32 @!p0 $0x1C1C  }
0xac: {  	[timem:s3], [sflag:s2] =	dma.local @!p0 [hbm:s0], s1  }
0xad: {  	s0 =	simm.s32 @!p0 $0x1C  }
0xae: {  	_ =	swait.ge @!p0 [sflag:s0], s1  }
0xaf: {  	s1 =	ssub.s32 @!p0 $0x0, s1;
	[sflag:s0] =	ssyncset.done @!p0 $0x0  }
0xb0: {  	[sflag:s0] =	ssyncadd.s32 @!p0 s1  }
0xb1: {  	[bflag:$0x3] =	sbarrier.arrive $0xFFFF  }
0xb2: {  	_ =	shalt  }

// kernel: kernel.7.cloned.1.call-start
scs
__scs_entry_jumppad:
0x0: {  	(pc) =	sbr.rel $0x88, $3  }
0x1: {  	(tag) =	ssettag $0x0;
	lr =	simm.s32 $0x1  }
0x2: {  	[smem:$0x3F9B] =	sst lr;
	_ =	strace $0xD0000000  }
0x3: {  	_ = 	snop  }
0x4: {  	_ = 	snop  }
0x5: {  	_ = 	snop  }
0x6: {  	_ = 	snop  }
0x7: {  	_ = 	snop  }
__scs_overlays_trampoline_lowered:
0x8: {  	[smem:$0x3FAA] =	sst s0  }
0x9: {  	[smem:$0x3FAB] =	sst s1  }
0xa: {  	[smem:$0x3FAC] =	sst s2  }
0xb: {  	[smem:$0x3FAD] =	sst s3  }
0xc: {  	[smem:$0x3FAE] =	sst s4  }
0xd: {  	[smem:$0x3FAF] =	sst s5  }
0xe: {  	[smem:$0x3FB0] =	sst s6  }
0xf: {  	[smem:$0x3FB1] =	sst s7  }
0x10: {  	[smem:$0x3FB2] =	sst s8  }
0x11: {  	[smem:$0x3FB3] =	sst s9;
	s0 =	simm.s32 @!p0 $0x0  }
0x12: {  	s1 =	sld [smem:$0x3F99];
	s0 =	simm.s32 @p0 $0x1  }
0x13: {  	[smem:$0x3FB4] =	sst s0;
	s0 =	simm.s32 @!p1 $0x0  }
0x14: {  	s2 =	sld [smem:$0x3F98];
	s0 =	simm.s32 @p1 $0x1  }
0x15: {  	[smem:$0x3FB5] =	sst s0;
	s0 =	simm.s32 @!p2 $0x0  }
0x16: {  	s3 =	sld [smem:$0x3FDB];
	s0 =	simm.s32 @p2 $0x1  }
0x17: {  	s4 =	simm.s32 $0x1BF5;
	[smem:$0x3FB7] =	sst s0  }
0x18: {  	s0 =	sld [smem:$0x3F9A];
	_ =	swait.ge [sflag:s4], $0x0  }
0x19: {  	s7 =	sld [smem:$0x3F9B]  }
0x1a: {  	s8 =	sadd.s32 $0xFFFFE003, lr  }
0x1b: {  	s9 =	sadd.s32 $0xFFFFFEF7, lr;
	s5 =	simm.s32 $0xFFFFFFFF;
	p2 =	slt.u32 s8, $0xFFFFF086  }
0x1c: {  	p1 =	slt.u32 s9, $0xF7A;
	s5 =	simm.s32 @!p2 $0x0  }
0x1d: {  	s5 =	simm.s32 @p1 $0x1;
	p0 =	seq.s32 s7, s2  }
0x1e: {  	s7 =	smul.u32 @!p0 $0xF7A, s2;
	p2 =	seq.s32 @!p0 s5, $0x0  }
0x1f: {  	s9 =	smul.u32 $0xF7A, s1;
	s8 =	simm.s32 @!p0 $0x1BF5;
	p2 =	por !p2, p0  }
0x20: {  	[sflag:s8] =	ssyncset.s32 @!p0 $0xFFFFF086;
	s6 =	sadd.s32 @!p0 s3, s7;
	s7 =	simm.s32 @!p0 $0x108  }
0x21: {  	s3 =	sadd.s32 s3, s9;
	s6 =	sadd.s32 @!p0 $0x88, s6;
	s7 =	simm.s32 @p2 $0x1082  }
0x22: {  	[simem:s7], [sflag:s8] =	dma.local @!p0 [hbm:s6], $0xF7A  }
0x23: {  	s9 =	sor.u32 $0xD0000000, s2;
	s6 =	simm.s32 $0x108;
	_ =	swait.ge @!p0 [sflag:s8], $0x0  }
0x24: {  	s3 =	sadd.s32 $0x88, s3;
	s6 =	simm.s32 @!p1 $0x1082;
	[sflag:s4] =	ssyncset.s32 $0xFFFFF086  }
0x25: {  	[simem:s6], [sflag:s4] =	dma.local [hbm:s3], $0xF7A  }
0x26: {  	[smem:$0x3F9B] =	sst s1;
	(tag) =	ssettag s2;
	_ =	strace s9  }
0x27: {  	s1 =	sld [smem:$0x3FAB]  }
0x28: {  	s2 =	sld [smem:$0x3FAC]  }
0x29: {  	s4 =	sld [smem:$0x3FAE]  }
0x2a: {  	p0 =	seq.s32 s5, $0x0;
	s5 =	sld [smem:$0x3FAF]  }
0x2b: {  	s6 =	sld [smem:$0x3FB0]  }
0x2c: {  	s7 =	sld [smem:$0x3FB1]  }
0x2d: {  	s3 =	simm.s32 $0x108;
	s8 =	sld [smem:$0x3FB2]  }
0x2e: {  	s3 =	simm.s32 @!p0 $0x1082;
	s9 =	sld [smem:$0x3FB3]  }
0x2f: {  	lr =	sadd.s32 s0, s3;
	s0 =	sld [smem:$0x3FAA]  }
0x30: {  	s3 =	sld [smem:$0x3FAD]  }
0x31: {  	[smem:$0x3FB6] =	sst s10  }
0x32: {  	s10 =	sld [smem:$0x3FB4];
	_ =	sdelay $0x3  }
0x33: {  	p0 =	seq.s32 s10, $0x1;
	s10 =	sld [smem:$0x3FB6];
	_ =	sdelay $0x3  }
0x34: {  	[smem:$0x3FB6] =	sst s10  }
0x35: {  	s10 =	sld [smem:$0x3FB5];
	_ =	sdelay $0x3  }
0x36: {  	p1 =	seq.s32 s10, $0x1;
	s10 =	sld [smem:$0x3FB6];
	_ =	sdelay $0x3  }
0x37: {  	[smem:$0x3FB6] =	sst s10  }
0x38: {  	s10 =	sld [smem:$0x3FB7]  }
0x39: {  	_ = 	snop;
	(pc) =	sbr.ind lr, $3  }
0x3a: {  	_ = 	snop  }
0x3b: {  	_ = 	snop  }
0x3c: {  	p2 =	seq.s32 s10, $0x1;
	s10 =	sld [smem:$0x3FB6]  }
0x3d: {  	_ =	shalt  }
0x3e: {  	_ =	shalt  }
0x3f: {  	_ =	shalt  }
0x40: {  	_ =	shalt  }
0x41: {  	_ =	shalt  }
0x42: {  	_ =	shalt  }
0x43: {  	_ =	shalt  }
0x44: {  	_ =	shalt  }
0x45: {  	_ =	shalt  }
0x46: {  	_ =	shalt  }
0x47: {  	_ =	shalt  }
0x48: {  	_ =	shalt  }
0x49: {  	_ =	shalt  }
0x4a: {  	_ =	shalt  }
0x4b: {  	_ =	shalt  }
0x4c: {  	_ =	shalt  }
0x4d: {  	_ =	shalt  }
0x4e: {  	_ =	shalt  }
0x4f: {  	_ =	shalt  }
0x50: {  	_ =	shalt  }
0x51: {  	_ =	shalt  }
0x52: {  	_ =	shalt  }
0x53: {  	_ =	shalt  }
0x54: {  	_ =	shalt  }
0x55: {  	_ =	shalt  }
0x56: {  	_ =	shalt  }
0x57: {  	_ =	shalt  }
0x58: {  	_ =	shalt  }
0x59: {  	_ =	shalt  }
0x5a: {  	_ =	shalt  }
0x5b: {  	_ =	shalt  }
0x5c: {  	_ =	shalt  }
0x5d: {  	_ =	shalt  }
0x5e: {  	_ =	shalt  }
0x5f: {  	_ =	shalt  }
0x60: {  	_ =	shalt  }
0x61: {  	_ =	shalt  }
0x62: {  	_ =	shalt  }
0x63: {  	_ =	shalt  }
0x64: {  	_ =	shalt  }
0x65: {  	_ =	shalt  }
0x66: {  	_ =	shalt  }
0x67: {  	_ =	shalt  }
0x68: {  	_ =	shalt  }
0x69: {  	_ =	shalt  }
0x6a: {  	_ =	shalt  }
0x6b: {  	_ =	shalt  }
0x6c: {  	_ =	shalt  }
0x6d: {  	_ =	shalt  }
0x6e: {  	_ =	shalt  }
0x6f: {  	_ =	shalt  }
0x70: {  	_ =	shalt  }
0x71: {  	_ =	shalt  }
0x72: {  	_ =	shalt  }
0x73: {  	_ =	shalt  }
0x74: {  	_ =	shalt  }
0x75: {  	_ =	shalt  }
0x76: {  	_ =	shalt  }
0x77: {  	_ =	shalt  }
0x78: {  	_ =	shalt  }
0x79: {  	_ =	shalt  }
0x7a: {  	_ =	shalt  }
0x7b: {  	_ =	shalt  }
0x7c: {  	_ =	shalt  }
0x7d: {  	_ =	shalt  }
0x7e: {  	_ =	shalt  }
0x7f: {  	_ =	shalt  }
0x80: {  	_ =	shalt  }
0x81: {  	_ =	shalt  }
0x82: {  	_ =	shalt  }
0x83: {  	_ =	shalt  }
0x84: {  	_ =	shalt  }
0x85: {  	_ =	shalt  }
0x86: {  	_ =	shalt  }
0x87: {  	_ =	shalt  }
.Lfunc_end0:
.L_simem_size_0:
called_computation_lowered:
.L_overlay_start_0:
0x88: {  	s2 =	sld [smem:$0x3FD9]  }
0x89: {  	s3 =	sld [smem:$0x3FFE];
	_ =	sdelay $0x1  }
0x8a: {  	s1 =	srdreg.scid  }
0x8b: {  	s0 =	sand.u32 $0x1, s1  }
0x8c: {  	s17 =	sshll.u32 s0, $0xA;
	s2 =	sadd.s32 s3, s2  }
0x8d: {  	s2 =	sadd.s32 s2, s17  }
0x8e: {  	[smem:$0x3FC2] =	sst s2  }
0x8f: {  	_ = 	snop  }
0x90: {  	s2 =	sld [smem:$0x3FD0];
	(tm) =	ssettm $0x1  }
0x91: {  	s18 =	sld [smem:$0x3FFB];
	_ =	sdelay $0x3  }
0x92: {  	_ =	strace s18  }
0x93: {  	s3 =	sld [smem:$0x3FFC];
	_ =	sdelay $0x3  }
0x94: {  	_ =	strace s3  }
0x95: {  	s3 =	sld [smem:$0x3FFD];
	_ =	sdelay $0x3  }
0x96: {  	_ =	strace s3  }
0x97: {  	_ =	strace $0x8FFFFFFF  }
0x98: {  	s19 =	sld [smem:$0x3FDB];
	_ =	sdelay $0x1  }
0x99: {  	s4 =	simm.s32 $_scs_section_size  }
0x9a: {  	s5 =	simm.s32 $_size__tile_overlayer_lowered;
	s6 =	simm.s32 $_tile_overlayer_lowered  }
0x9b: {  	s22 =	simm.s32 $0x1BFF;
	s21 =	sshll.u32 s6, $0x1;
	s3 =	sadd.s32 s4, s19  }
0x9c: {  	s7 =	simm.s32 $0x0;
	s20 =	sshll.u32 s5, $0x1;
	s5 =	sadd.s32 s21, s3  }
0x9d: {  	[timem:s7], [sflag:s22] =	dma.local [hbm:s5], s20  }
0x9e: {  	_ =	swait.ge [sflag:s22], s20  }
0x9f: {  	s4 =	ssub.s32 $0x0, s20;
	[sflag:s22] =	ssyncset.done $0x0  }
0xa0: {  	[sflag:s22] =	ssyncadd.s32 s4;
	_ =	sdelay $0x1  }
0xa1: {  	s23 =	simm.s32 $0x1B8B  }
0xa2: {  	_ =	swait.ge [sflag:s23], $0x1  }
0xa3: {  	[sflag:s23] =	ssyncset.done $0x0  }
0xa4: {  	s25 =	simm.s32 $0x1B8E;
	s24 =	sld [smem:$0x3FFE];
	[sflag:s23] =	ssyncadd.s32 $0xFFFFFFFF  }
0xa5: {  	s26 =	simm.s32 $execute0_lowered;
	[smem:$0x3FD2] =	sst s25  }
0xa6: {  	s5 =	sshll.u32 s26, $0x1;
	_ =	strace $0x80000046;
	[dreg:$0x1] =	wrdreg $0xFFFFFFFF  }
0xa7: {  	s28 =	simm.s32 $_size_execute0_lowered;
	s3 =	sadd.s32 s3, s5;
	[dreg:$0x0] =	wrdreg $0x0  }
0xa8: {  	s5 =	sshll.u32 s28, $0x1;
	[dreg:$0x2] =	wrdreg s3  }
0xa9: {  	[dreg:$0x3] =	wrdreg s5  }
0xaa: {  	[dreg:$0x4] =	wrdreg $0xC0  }
0xab: {  	_ =	task [dreg:s7], $0x5FFFF  }
0xac: {  	[dreg:$0x1] =	wrdreg $0xFFFFFFFF  }
0xad: {  	[dreg:$0x0] =	wrdreg $0x60  }
0xae: {  	[dreg:$0x2] =	wrdreg s2  }
0xaf: {  	[dreg:$0x3] =	wrdreg s24  }
0xb0: {  	[dreg:$0x4] =	wrdreg $0xC3A00  }
0xb1: {  	[dreg:$0x5] =	wrdreg $0x9  }
0xb2: {  	_ =	task.clear_ibuf [dreg:s7], $0x6FFFF;
	_ =	strace $0x90000046  }
0xb3: {  	s29 =	simm.s32 $0x9;
	_ =	strace $0x80000048  }
0xb4: {  	_ =	swait.ge [sflag:s29], $0x1  }
0xb5: {  	[sflag:s29] =	ssyncadd.s32 $0xFFFFFFFF  }
0xb6: {  	_ =	strace $0x90000048  }
0xb7: {  	_ =	sfence  }
0xb8: {  	s30 =	sld [smem:$0x0];
	_ =	sdelay $0x2  }
0xb9: {  	s31 =	sshll.u32 s1, $0xD;
	s1 =	sshrl.u32 s1, $0x2  }
0xba: {  	s3 =	sand.u32 $0x4000, s31;
	s1 =	sadd.s32 s1, s30  }
0xbb: {  	s0 =	sor.u32 s3, s0;
	s1 =	sshll.u32 s1, $0x11  }
0xbc: {  	s0 =	sor.u32 s1, s0  }
0xbd: {  	s0 =	sadd.s32 $0x8F2B, s0  }
0xbe: {  	[sflag:s0] =	ssyncadd.remote.s32 $0x1  }
0xbf: {  	_ =	sfence.sel $0xFFFF  }
0xc0: {  	[dreg:$0x0] =	wrdreg $0xFFFFFFFF;
	(pc) =	sbr.abs _section_cstart, $3  }
0xc1: {  	[dreg:$0x1] =	wrdreg $0xFFFFFFFF  }
0xc2: {  	_ =	task.clear_ibuf [dreg:s7], $0x2FFFF;
	_ =	strace $0x9FFFFFFF  }
0xc3: {  	(tm) =	ssettm $0x7FFFFFFF  }
tec
execute0_lowered:
.L_overlay_start_1:
0x0: {  	(tag) =	ssettag $0x1  }
0x1: {  	s0 =	rddreg [dreg:$0x0]  }
0x2: {  	s5 =	rddreg [dreg:$0x1]  }
0x3: {  	s1 =	srdreg.scid;
	s3 =	rddreg [dreg:$0x2]  }
0x4: {  	s2 =	stileid.u32;
	s4 =	simm.s32 $0x0;
	s31 =	simm.s32 $0x1  }
0x5: {  	s29 =	simm.s32 $0x2;
	s30 =	simm.s32 $0x4;
	s1 =	sand.u32 $0x1, s1  }
0x6: {  	[smem:$0x7FF] =	sst s4;
	s9 =	sadd.s32 $0x1A00, s5;
	s13 =	smul.u32 $0x3200, s2  }
0x7: {  	s5 =	sadd.s32 $0xB800, s5;
	s16 =	sor.u32 $0x30, s2;
	s26 =	smul.u32 $0x9C400, s1  }
0x8: {  	s6 =	sshll.u32 s1, $0x4;
	_ =	strace $0x80000047;
	s17 =	smul.u32 $0x3200, s16  }
0x9: {  	s10 =	ssub.s32 $0x2, s1;
	s1 =	smul.u32 $0xA0, s1;
	s7 =	sor.u32 s2, s6  }
0xa: {  	p0 =	sgt.u32 s16, $0x31;
	s11 =	sshrl.u32 s10, $0x1;
	s8 =	smul.u32 $0x50, s7  }
0xb: {  	s15 =	sadd.s32 $0x32000, s13;
	s19 =	sadd.s32 $0x64000, s13;
	s12 =	smul.u32 $0xA, s7  }
0xc: {  	s10 =	ssub.s32 s10, s11;
	s28 =	ssub.s32 $0x830, s7;
	s11 =	sxor.u32 $0x7D0, s6  }
0xd: {  	s14 =	sadd.s32 s26, s13;
	s20 =	sadd.s32 s26, s19;
	s1 =	sadd.s32 s1, s9  }
0xe: {  	s7 =	sor.u32 $0xC0, s7;
	s10 =	smax.u32 s10, $0x1;
	[dreg:$0x4] =	wrdreg s28  }
0xf: {  	s6 =	sshrl.u32 s14, $0x3;
	s14 =	sadd.s32 s26, s15;
	[dreg:$0x5] =	wrdreg s7  }
0x10: {  	s8 =	sshrl.u32 s8, $0x3;
	s21 =	sadd.s32 s9, s12;
	[dreg:$0xc] =	wrdreg s10  }
0x11: {  	s6 =	sadd.s32 s5, s6;
	s18 =	sshrl.u32 s14, $0x3;
	[dreg:$0x6] =	wrdreg s21  }
0x12: {  	s8 =	sadd.s32 s9, s8;
	[dreg:$0xd] =	wrdreg s6;
	s6 =	sadd.s32 s5, s18  }
0x13: {  	s12 =	sadd.s32 s26, s17;
	s22 =	sadd.s32 $0x140, s8;
	[dreg:$0xe] =	wrdreg s6  }
0x14: {  	s12 =	sshrl.u32 s12, $0x3;
	s23 =	sadd.s32 $0x280, s8;
	[dreg:$0x7] =	wrdreg s22  }
0x15: {  	s21 =	smul.u32 $0x2800, s2;
	s24 =	sadd.s32 $0x3C0, s8;
	[dreg:$0x8] =	wrdreg s23  }
0x16: {  	s25 =	sadd.s32 $0x500, s8;
	s8 =	sadd.s32 $0x640, s8;
	[dreg:$0x9] =	wrdreg s24  }
0x17: {  	s6 =	sshrl.u32 s20, $0x3;
	s20 =	simm.s32 $0x27100;
	[dreg:$0xa] =	wrdreg s25  }
0x18: {  	[dreg:$0xb] =	wrdreg s8;
	s6 =	sadd.s32 s5, s6;
	s5 =	sadd.s32 s5, s12  }
0x19: {  	s22 =	sadd.s32 s13, s3;
	s23 =	smul.u32 $0xA, s2;
	s8 =	sadd.s32 s15, s3  }
0x1a: {  	s24 =	sadd.s32 s19, s3;
	s13 =	sadd.s32 s17, s3;
	[dreg:$0xf] =	wrdreg s6  }
0x1b: {  	s19 =	simm.s32 $0x50;
	[dreg:$0x10] =	wrdreg s5;
	s25 =	sshrl.u32 s22, $0x3  }
0x1c: {  	s5 =	sshrl.u32 s21, $0x2;
	s26 =	sshrl.u32 s8, $0x3;
	[dreg:$0x11] =	wrdreg s25  }
0x1d: {  	s28 =	sshrl.u32 s24, $0x3;
	s1 =	sadd.s32 s23, s1;
	[dreg:$0x12] =	wrdreg s26  }
0x1e: {  	s17 =	sadd.s32 s5, s3;
	[dreg:$0x13] =	wrdreg s28;
	s25 =	sshrl.u32 @!p0 s13, $0x3  }
0x1f: {  	v0 =	vimm.f32 $0.0e+00;
	s5 =	simm.s32 $0x1C;
	s18 =	sadd.s32 $0x780, s1;
	s1 =	simm.s32 $0x3  }
.LBB2_1:
0x20: {  	s6 =	simm.s32 $0x0  }
.LBB2_2:
0x21: {  	p1 =	sne.s32 s6, $0x2700  }
.Ltmp0:
0x22: {  	s7 =	sshra.s32 s6, $0x2;
	(pc) =	sbr.rel @p1 .LBB2_2-.Ltmp0, $4  }
0x23: {  	[tilespmem:s7+$0xB9A0] =	vst v0  }
0x24: {  	[tilespmem:s7+$0xB9B0] =	vst v0  }
0x25: {  	[tilespmem:s7+$0xB9C0] =	vst v0  }
0x26: {  	s6 =	sadd.s32 $0x100, s6;
	[tilespmem:s7+$0xB9D0] =	vst v0  }
0x27: {  	s6 =	sadd.s32 $0x0, s2  }
0x28: {  	p1 =	sgt.u32 s6, $0xF9  }
0x29: {  	s6 =	simm.s32 @!p1 $0xB9A0;
	s9 =	simm.s32 @!p1 $0x1C  }
0x2a: {  	[spmem:s17] =	stream.linear.scatter @!p1 [tilespmem:s6], [sflag:$0x1C], $0xA00, $0x38;
	[tilespmem:$0x15FE0] =	vst v63  }
0x2b: {  	s7 =	simm.s32 $0x10;
	_ =	swait.ge @!p1 [sflag:s9], $0xA00  }
0x2c: {  	s8 =	simm.s32 $0x20;
	s6 =	sadd.s32 $0xA000, s17;
	[sflag:s9] =	ssyncset.done @!p1 $0x0  }
.LBB2_4:
0x2d: {  	s10 =	sadd.s32 s7, s2;
	s7 =	smov.u32 s8;
	s8 =	sadd.s32 $0x10, s8  }
0x2e: {  	[sflag:s9] =	ssyncadd.s32 @!p1 $0xFFFFF600;
	p2 =	sne.s32 s8, $0x100  }
.Ltmp1:
0x2f: {  	p1 =	sgt.u32 s10, $0xF9;
	(pc) =	sbr.rel @p2 .LBB2_4-.Ltmp1, $4  }
0x30: {  	s10 =	simm.s32 @!p1 $0xB9A0;
	s9 =	simm.s32 @!p1 $0x1C  }
0x31: {  	[spmem:s6] =	stream.linear.scatter @!p1 [tilespmem:s10], [sflag:$0x1C], $0xA00, $0x38;
	[tilespmem:$0x15FE0] =	vst v63  }
0x32: {  	_ =	swait.ge @!p1 [sflag:s9], $0xA00  }
0x33: {  	s6 =	sadd.s32 $0xA000, s6;
	[sflag:s9] =	ssyncset.done @!p1 $0x0  }
0x34: {  	s7 =	sadd.s32 s7, s2  }
0x35: {  	p2 =	sgt.u32 s7, $0xF9  }
0x36: {  	[sflag:s9] =	ssyncadd.s32 @!p1 $0xFFFFF600;
	s7 =	simm.s32 @!p2 $0xB9A0;
	s8 =	simm.s32 @!p2 $0x1C  }
0x37: {  	[spmem:s6] =	stream.linear.scatter @!p2 [tilespmem:s7], [sflag:$0x1C], $0xA00, $0x38;
	[tilespmem:$0x15FE0] =	vst v63  }
0x38: {  	_ =	swait.ge @!p2 [sflag:s8], $0xA00  }
0x39: {  	[sflag:s8] =	ssyncset.done @!p2 $0x0  }
0x3a: {  	[sflag:s8] =	ssyncadd.s32 @!p2 $0xFFFFF600  }
0x3b: {  	[bflag:$0x0] =	sbarrier.arrive $0xFFFF  }
0x3c: {  	s6 =	simm.s32 $0x0;
	s22 =	rddreg [dreg:$0x6]  }
0x3d: {  	[tilespmem:s6], [sflag:$0x1] =	stream.strided.gather [hbm4b:s22+s19], $0xA0, s20, s19, $0x38;
	[tilespmem:$0x15FE0] =	vst v63  }
0x3e: {  	s24 =	simm.s32 $0xA0;
	s23 =	rddreg [dreg:$0x7]  }
0x3f: {  	[tilespmem:s24], [sflag:$0x2] =	stream.strided.gather [hbm4b:s23+s19], $0xA0, s20, s19, $0x38;
	[tilespmem:$0x15FE0] =	vst v63  }
0x40: {  	s28 =	simm.s32 $0x140;
	s26 =	rddreg [dreg:$0x8]  }
0x41: {  	[tilespmem:s28], [sflag:$0x3] =	stream.strided.gather [hbm4b:s26+s19], $0xA0, s20, s19, $0x38;
	[tilespmem:$0x15FE0] =	vst v63  }
0x42: {  	s10 =	simm.s32 $0x1E0;
	s12 =	rddreg [dreg:$0x9]  }
0x43: {  	[tilespmem:s10], [sflag:$0x4] =	stream.strided.gather [hbm4b:s12+s19], $0xA0, s20, s19, $0x38;
	[tilespmem:$0x15FE0] =	vst v63  }
0x44: {  	s13 =	rddreg [dreg:$0xa];
	s12 =	simm.s32 $0x280  }
0x45: {  	[tilespmem:s12], [sflag:$0x5] =	stream.strided.gather [hbm4b:s13+s19], $0xA0, s20, s19, $0x38;
	[tilespmem:$0x15FE0] =	vst v63  }
0x46: {  	s15 =	simm.s32 $0x320;
	s14 =	rddreg [dreg:$0xb]  }
0x47: {  	[tilespmem:s15], [sflag:$0x6] =	stream.strided.gather [hbm4b:s14+s19], $0xA0, s20, s19, $0x38;
	[tilespmem:$0x15FE0] =	vst v63  }
0x48: {  	_ =	swait.ge [sflag:s31], $0xA0  }
0x49: {  	[sflag:s31] =	ssyncset.done $0x0  }
0x4a: {  	s16 =	simm.s32 $0x5A0;
	[sflag:s31] =	ssyncadd.s32 $0xFFFFFF60  }
0x4b: {  	[tilespmem:s16], [sflag:$0xA] =	stream.indirect.gather [hbm4b:s0+s19], $0x40, s6, s19, $0xb8;
	[tilespmem:$0x15FE0] =	vst v63  }
0x4c: {  	_ =	swait.ge [sflag:s29], $0xA0  }
0x4d: {  	s23 =	simm.s32 $0x6;
	[sflag:s29] =	ssyncset.done $0x0  }
0x4e: {  	s21 =	simm.s32 $0x19A0;
	s7 =	smul.u32 $0x39, s23;
	[sflag:s29] =	ssyncadd.s32 $0xFFFFFF60  }
0x4f: {  	[tilespmem:s21], [sflag:$0xB] =	stream.indirect.gather [hbm4b:s0+s19], $0x40, s24, s19, $0xb8;
	[tilespmem:$0x15FE0] =	vst v63  }
0x50: {  	p1 =	por $0x1, $0x1;
	s26 =	sshrl.u32 s7, $0x9;
	_ =	swait.ge [sflag:s1], $0xA0  }
0x51: {  	s22 =	simm.s32 $0x2DA0;
	s8 =	sand.u32 $0x7F, s26;
	[sflag:s1] =	ssyncset.done $0x0  }
0x52: {  	s7 =	sadd.s32 $0xFFFFFEAA, s7;
	s8 =	smul.u32 $0x9, s8;
	[sflag:s1] =	ssyncadd.s32 $0xFFFFFF60  }
0x53: {  	[tilespmem:s22], [sflag:$0xC] =	stream.indirect.gather [hbm4b:s0+s19], $0x40, s28, s19, $0xb8;
	[tilespmem:$0x15FE0] =	vst v63  }
0x54: {  	s7 =	sshrl.u32 s7, $0x9;
	s8 =	ssub.s32 $0x6, s8;
	_ =	swait.ge [sflag:s30], $0xA0  }
0x55: {  	s8 =	sand.u32 $0xFF, s8;
	[sflag:s30] =	ssyncset.done $0x0;
	s9 =	rddreg [dreg:$0x4]  }
0x56: {  	s24 =	simm.s32 $0x41A0;
	[sflag:s30] =	ssyncadd.s32 $0xFFFFFF60;
	p2 =	sle.u32 @!p1 s9, $0x0  }
0x57: {  	[tilespmem:s24], [sflag:$0xD] =	stream.indirect.gather [hbm4b:s0+s19], $0x40, s10, s19, $0xb8;
	[tilespmem:$0x15FE0] =	vst v63  }
0x58: {  	p3 =	por p2, p1;
	s10 =	simm.s32 $0x4;
	p2 =	sle.u32 s11, $0x80  }
0x59: {  	s7 =	sand.u32 $0x7F, s7;
	s9 =	sadd.s32 @!p3 $0x13, s8;
	s10 =	smul.u32 @!p2 $0x39, s10  }
0x5a: {  	s7 =	smul.u32 $0x9, s7;
	_ =	swait.ge @!p3 [sflag:s9], $0x1400  }
0x5b: {  	s28 =	rddreg [dreg:$0x5];
	s10 =	sshrl.u32 @!p2 s10, $0x9  }
0x5c: {  	s7 =	ssub.s32 $0x0, s7;
	s12 =	sadd.s32 $0x0, s28;
	s10 =	sand.u32 @!p2 $0x7F, s10  }
0x5d: {  	s13 =	sand.u32 $0xFF, s7;
	p4 =	sgt.u32 s12, $0x7CF;
	s10 =	smul.u32 @!p2 $0x9, s10  }
0x5e: {  	p1 =	sle.u32 s11, $0x0;
	[sflag:s9] =	ssyncset.done @!p3 $0x0;
	s7 =	smul.u32 @!p4 $0x280, s8  }
0x5f: {  	[sflag:s9] =	ssyncadd.s32 @!p3 $0xFFFFEC00;
	s8 =	sadd.s32 @!p4 $0x1, s8;
	s14 =	simm.s32 @!p4 $0x27100  }
0x60: {  	s9 =	ssub.s32 @!p2 $0x4, s10;
	s10 =	simm.s32 @!p4 $0x50;
	s7 =	sshrl.u32 @!p4 s7, $0x2  }
0x61: {  	[tilespmem:s7], [sflag:s8] =	stream.strided.gather @!p4 [hbm4b:s18+s10], $0xA0, s14, s10, $0x38;
	[tilespmem:$0x15FE0] =	vst v63  }
0x62: {  	s9 =	sand.u32 @!p2 $0xFF, s9;
	s8 =	smul.u32 @!p1 $0x280, s13  }
0x63: {  	s7 =	sadd.s32 @!p2 $0x1, s9;
	s10 =	smul.u32 @!p2 $0x5000, s9  }
0x64: {  	s14 =	smul.u32 @!p2 $0x280, s9;
	_ =	swait.ge @!p2 [sflag:s7], $0xA0  }
0x65: {  	s12 =	smul.u32 @!p1 $0x5000, s13;
	s9 =	sadd.s32 @!p2 $0xA, s9;
	[sflag:s7] =	ssyncset.done @!p2 $0x0  }
0x66: {  	s10 =	sshrl.u32 @!p2 s10, $0x2;
	s14 =	sshrl.u32 @!p2 s14, $0x2;
	s8 =	sshrl.u32 @!p1 s8, $0x2  }
0x67: {  	[sflag:s7] =	ssyncadd.s32 @!p2 $0xFFFFFF60;
	s7 =	simm.s32 @!p2 $0x50;
	s10 =	sadd.s32 @!p2 $0x5A0, s10  }
0x68: {  	[tilespmem:s10], [sflag:s9] =	stream.indirect.gather @!p2 [hbm4b:s0+s7], $0x40, s14, s7, $0xb8;
	[tilespmem:$0x15FE0] =	vst v63  }
0x69: {  	s7 =	simm.s32 $0x7;
	s9 =	sadd.s32 @!p1 $0x13, s13;
	s10 =	sshrl.u32 @!p1 s12, $0x2  }
0x6a: {  	s12 =	sadd.s32 @!p1 $0x50, s8;
	s13 =	sadd.s32 @!p1 $0xA, s13;
	s14 =	simm.s32 @!p1 $0x50  }
0x6b: {  	s8 =	sadd.s32 $0x140, s18;
	s10 =	sadd.s32 @!p1 $0x5A0, s10;
	_ =	swait.ge @!p1 [sflag:s13], $0x1400  }
.LBB2_6:
0x6c: {  	[sflag:s13] =	ssyncset.done @!p1 $0x0;
	s15 =	smov.u32 s7  }
0x6d: {  	s6 =	sadd.s32 $0x20, s6;
	s7 =	sadd.s32 $0x1, s7;
	s16 =	smul.u32 $0x39, s15  }
0x6e: {  	p2 =	sne.s32 s7, $0x48;
	[sflag:s13] =	ssyncadd.s32 @!p1 $0xFFFFEC00;
	s24 =	sadd.s32 $0xFFFFFFFA, s15  }
0x6f: {  	[spmem:s3] =	stream.indirect.scatter.add.f32 @!p1 [tilespmem:s10], [sflag:s9], $0x40, s12, s14, $0xb8;
	[tilespmem:$0x15FE0] =	vst v63  }
0x70: {  	s26 =	sadd.s32 $0x80, s6;
	s22 =	sadd.s32 $0xFFFFFEAA, s16;
	s23 =	sshrl.u32 s16, $0x9  }
0x71: {  	s12 =	rddreg [dreg:$0x4];
	s9 =	sshrl.u32 s22, $0x9;
	s10 =	sand.u32 $0x7F, s23  }
0x72: {  	p3 =	slt.u32 s24, $0x3;
	s9 =	sand.u32 $0x7F, s9;
	s10 =	smul.u32 $0x9, s10  }
0x73: {  	p1 =	sge.u32 s6, s11;
	p4 =	sge.u32 @!p3 s6, s12;
	s9 =	smul.u32 $0x9, s9  }
0x74: {  	s14 =	sadd.s32 $0xFFFFFFFE, s15;
	p4 =	por p4, p3;
	p3 =	sge.u32 s26, s11  }
0x75: {  	s10 =	ssub.s32 s15, s10;
	s15 =	smul.u32 @!p3 $0x39, s14;
	s9 =	ssub.s32 s24, s9  }
0x76: {  	s12 =	sand.u32 $0xFF, s10;
	s24 =	simm.s32 @!p3 $0x50;
	s13 =	sand.u32 $0xFF, s9  }
0x77: {  	s9 =	sadd.s32 @!p4 $0x13, s12;
	s15 =	sshrl.u32 @!p3 s15, $0x9;
	s16 =	smul.u32 @!p1 $0x5000, s13  }
0x78: {  	_ =	swait.ge @!p4 [sflag:s9], $0x1400;
	s21 =	smul.u32 @!p1 $0x280, s13;
	s15 =	sand.u32 @!p3 $0x7F, s15  }
0x79: {  	[sflag:s9] =	ssyncset.done @!p4 $0x0;
	s28 =	rddreg [dreg:$0x5];
	s15 =	smul.u32 @!p3 $0x9, s15  }
0x7a: {  	[sflag:s9] =	ssyncadd.s32 @!p4 $0xFFFFEC00;
	s9 =	sadd.s32 @!p1 $0x13, s13;
	s10 =	sadd.s32 s6, s28  }
0x7b: {  	s16 =	sshrl.u32 @!p1 s16, $0x2;
	s13 =	sadd.s32 @!p1 $0xA, s13;
	p4 =	sgt.u32 s10, $0x7CF  }
0x7c: {  	s10 =	sadd.s32 @!p1 $0x5A0, s16;
	s14 =	ssub.s32 @!p3 s14, s15;
	s16 =	smul.u32 @!p4 $0x280, s12  }
0x7d: {  	s26 =	sadd.s32 @!p4 $0x1, s12;
	s12 =	sshrl.u32 @!p1 s21, $0x2;
	s14 =	sand.u32 @!p3 $0xFF, s14  }
0x7e: {  	s21 =	simm.s32 @!p4 $0x27100;
	s22 =	sadd.s32 @!p3 $0x1, s14;
	s28 =	smul.u32 @!p3 $0x280, s14  }
0x7f: {  	s23 =	smul.u32 @!p3 $0x5000, s14;
	s15 =	sshrl.u32 @!p4 s16, $0x2;
	s16 =	simm.s32 @!p4 $0x50  }
0x80: {  	[tilespmem:s15], [sflag:s26] =	stream.strided.gather @!p4 [hbm4b:s8+s16], $0xA0, s21, s16, $0x38;
	[tilespmem:$0x15FE0] =	vst v63  }
.Ltmp2:
0x81: {  	s12 =	sadd.s32 @!p1 $0x50, s12;
	_ =	swait.ge @!p3 [sflag:s22], $0xA0;
	(pc) =	sbr.rel @p2 .LBB2_6-.Ltmp2, $4  }
0x82: {  	s14 =	sadd.s32 @!p3 $0xA, s14;
	s15 =	sshrl.u32 @!p3 s23, $0x2;
	[sflag:s22] =	ssyncset.done @!p3 $0x0  }
0x83: {  	s16 =	sshrl.u32 @!p3 s28, $0x2;
	s15 =	sadd.s32 @!p3 $0x5A0, s15;
	[sflag:s22] =	ssyncadd.s32 @!p3 $0xFFFFFF60  }
0x84: {  	[tilespmem:s15], [sflag:s14] =	stream.indirect.gather @!p3 [hbm4b:s0+s24], $0x40, s16, s24, $0xb8;
	[tilespmem:$0x15FE0] =	vst v63  }
0x85: {  	s8 =	sadd.s32 $0x140, s8;
	s14 =	simm.s32 @!p1 $0x50;
	_ =	swait.ge @!p1 [sflag:s13], $0x1400  }
0x86: {  	[sflag:s13] =	ssyncset.done @!p1 $0x0  }
0x87: {  	[sflag:s13] =	ssyncadd.s32 @!p1 $0xFFFFEC00  }
0x88: {  	[spmem:s3] =	stream.indirect.scatter.add.f32 @!p1 [tilespmem:s10], [sflag:s9], $0x40, s12, s14, $0xb8;
	[tilespmem:$0x15FE0] =	vst v63  }
0x89: {  	[bflag:$0x0] =	sbarrier.arrive $0xFFFF  }
0x8a: {  	s6 =	sshll.u32 s2, $0x6;
	s7 =	rddreg [dreg:$0xd]  }
0x8b: {  	s6 =	sor.u32 $0x1C1C, s6;
	s8 =	rddreg [dreg:$0x11]  }
0x8c: {  	[hbm:s7], [sflag:s6] =	dma.local [spmem:s8], $0x640  }
0x8d: {  	_ =	swait.ge [sflag:s5], $0x640  }
0x8e: {  	[sflag:s5] =	ssyncset.done $0x0;
	s22 =	rddreg [dreg:$0xe]  }
0x8f: {  	s23 =	rddreg [dreg:$0x12];
	[sflag:s5] =	ssyncadd.s32 $0xFFFFF9C0  }
0x90: {  	[hbm:s22], [sflag:s6] =	dma.local [spmem:s23], $0x640  }
0x91: {  	_ =	swait.ge [sflag:s5], $0x640  }
0x92: {  	[sflag:s5] =	ssyncset.done $0x0;
	s24 =	rddreg [dreg:$0xf]  }
0x93: {  	s26 =	rddreg [dreg:$0x13];
	[sflag:s5] =	ssyncadd.s32 $0xFFFFF9C0  }
0x94: {  	[hbm:s24], [sflag:s6] =	dma.local [spmem:s26], $0x640  }
0x95: {  	_ =	swait.ge [sflag:s5], $0x640  }
0x96: {  	[sflag:s5] =	ssyncset.done $0x0  }
0x97: {  	s7 =	rddreg [dreg:$0x10];
	[sflag:s5] =	ssyncadd.s32 $0xFFFFF9C0  }
0x98: {  	[hbm:s7], [sflag:s6] =	dma.local @!p0 [spmem:s25], $0x640  }
0x99: {  	s6 =	simm.s32 @!p0 $0x1C  }
0x9a: {  	_ =	swait.ge @!p0 [sflag:s6], $0x640  }
0x9b: {  	s4 =	sadd.s32 $0x1, s4;
	s28 =	rddreg [dreg:$0xc]  }
0x9c: {  	p1 =	sne.s32 s4, s28  }
.Ltmp3:
0x9d: {  	_ = 	snop;
	(pc) =	sbr.rel @p1 .LBB2_1-.Ltmp3, $3  }
0x9e: {  	_ =	sdelay $0x1  }
0x9f: {  	[sflag:s6] =	ssyncset.done @!p0 $0x0  }
0xa0: {  	[sflag:s6] =	ssyncadd.s32 @!p0 $0xFFFFF9C0  }
0xa1: {  	_ =	sfence.sel $0x180000  }
0xa2: {  	[bflag:$0x0] =	sbarrier.arrive $0xFFFF  }
0xa3: {  	_ =	strace $0x90000047  }
0xa4: {  	[bflag:$0x2] =	sbarrier.arrive $0xFFFF  }
0xa5: {  	p0 =	sne.s32 s2, $0x0;
	s0 =	rddreg [dreg:$0x3]  }
0xa6: {  	s0 =	sadd.s32 @!p0 $0x100000, s0  }
0xa7: {  	[sflag:s0] =	ssyncadd.tile.s32 @!p0 $0x1;
	_ =	shalt  }
.Lfunc_end2:
_tile_overlayer_lowered:
.L_overlay_start_2:
0xa8: {  	(tag) =	ssettag $0x2  }
0xa9: {  	s0 =	rddreg [dreg:$0x0];
	s2 =	stileid.u32  }
0xaa: {  	s1 =	rddreg [dreg:$0x1];
	p0 =	sne.s32 s2, $0x0  }
0xab: {  	s3 =	rddreg [dreg:$0x2];
	[bflag:$0x3] =	sbarrier.arrive $0xFFFF;
	s2 =	simm.s32 @!p0 $0x1C1C  }
0xac: {  	[timem:s3], [sflag:s2] =	dma.local @!p0 [hbm:s0], s1  }
0xad: {  	s0 =	simm.s32 @!p0 $0x1C  }
0xae: {  	_ =	swait.ge @!p0 [sflag:s0], s1  }
0xaf: {  	s1 =	ssub.s32 @!p0 $0x0, s1;
	[sflag:s0] =	ssyncset.done @!p0 $0x0  }
0xb0: {  	[sflag:s0] =	ssyncadd.s32 @!p0 s1  }
0xb1: {  	[bflag:$0x3] =	sbarrier.arrive $0xFFFF  }
0xb2: {  	_ =	shalt  }

</sc_bundles>
